<compile_context>
chip_gen: v7x
topology: tpu7x:2x2x1
jax: 0.10.2.dev20260603
libtpu: 0.0.44.dev20260713+nightly
codegen_flags: <defaults>
</compile_context>

<pallas_src>
import functools

import jax
import jax.numpy as jnp
from jax import lax
from jax.experimental import pallas as pl
from jax.experimental.pallas import tpu as pltpu
from jax.experimental.pallas import tpu_sc as plsc

B, S, H, D = 4, 8192, 2048, 16
NC, NS, L = 2, 16, 16
NW = NC * NS
WPB = NW // B

S_SC = 1024
SPW = S_SC // WPB
RCH = 16
NCH = SPW // RCH

CS = 1024
NT = (S - S_SC) // CS


@functools.cache
def _make_pool_sc():
    mesh = plsc.VectorSubcoreMesh(core_axis_name="c", subcore_axis_name="s")
    return functools.partial(
        pl.kernel,
        mesh=mesh,
        out_type=jax.ShapeDtypeStruct((NW, H), jnp.float32),
        scratch_types=[
            pltpu.VMEM((RCH, H), jnp.float32),
            pltpu.VMEM((RCH, H), jnp.float32),
            pltpu.VMEM((H,), jnp.float32),
            pltpu.SemaphoreType.DMA,
            pltpu.SemaphoreType.DMA,
        ],
        compiler_params=pltpu.CompilerParams(vmem_limit_bytes=2 * 1024 * 1024),
    )(_pool_sc_body)


def _pool_sc_body(h_hbm, out_hbm, buf0, buf1, acc, sem0, sem1):
    cid = lax.axis_index("c")
    sid = lax.axis_index("s")
    wid = sid * NC + cid
    b = wid // WPB
    base = b * S + (S - S_SC) + (wid % WPB) * SPW

    def _start(buf, sem, chunk):
        pltpu.make_async_copy(
            h_hbm.at[pl.ds(base + chunk * RCH, RCH)], buf, sem
        ).start()

    def _wait(buf, sem):
        pltpu.make_async_copy(h_hbm.at[pl.ds(base, RCH)], buf, sem).wait()

    def _zero(g, _):
        acc[pl.ds(g * L, L)] = jnp.zeros((L,), jnp.float32)
        return 0

    lax.fori_loop(0, H // L, _zero, 0)

    def _accum(buf):
        GU = 2

        def _one(g):
            col = pl.ds(g * L, L)
            x = [buf[r, col] for r in range(RCH)]
            while len(x) > 1:
                x = [x[i] + x[i + 1] for i in range(0, len(x), 2)]
            acc[col] = acc[col] + x[0]

        def _g(g, _):
            for u in range(GU):
                _one(g * GU + u)
            return 0

        lax.fori_loop(0, H // (L * GU), _g, 0)

    _start(buf0, sem0, 0)

    def _body(i, _):
        c0 = i * 2
        _start(buf1, sem1, c0 + 1)
        _wait(buf0, sem0)
        _accum(buf0)

        @pl.when(i < NCH // 2 - 1)
        def _():
            _start(buf0, sem0, c0 + 2)

        _wait(buf1, sem1)
        _accum(buf1)
        return 0

    lax.fori_loop(0, NCH // 2, _body, 0)
    pltpu.sync_copy(acc, out_hbm.at[wid])


def _tc_pool_body(h_ref, out_ref):
    @pl.when(pl.program_id(0) == 0)
    def _():
        out_ref[...] = jnp.zeros_like(out_ref)

    out_ref[...] += jnp.sum(h_ref[...], axis=1)


def _tc_pool_body2(h_ref, out_ref):
    @pl.when(pl.program_id(1) == 0)
    def _():
        out_ref[...] = jnp.zeros_like(out_ref)

    out_ref[...] += jnp.sum(h_ref[...], axis=1)[:, None, :]


def _tc_pool(h3):
    return pl.pallas_call(
        _tc_pool_body2,
        grid=(B, NT),
        compiler_params=pltpu.CompilerParams(vmem_limit_bytes=46 * 1024 * 1024),
        in_specs=[
            pl.BlockSpec((1, CS, H), lambda b, i: (b, i, 0)),
        ],
        out_specs=pl.BlockSpec((1, 8, H), lambda b, i: (b, 0, 0)),
        out_shape=jax.ShapeDtypeStruct((B, 8, H), jnp.float32),
    )(h3)


def _gate_body(cd_ref, p_ref, t_ref, w_ref, b_ref, loss_ref, idx_ref):
    cd = cd_ref[0, 0]
    pooled = (jnp.sum(p_ref[...], axis=1) + t_ref[:, 0, :]) * (1.0 / S)
    logits = (
        jnp.dot(pooled, w_ref[cd], preferred_element_type=jnp.float32)
        + b_ref[pl.ds(cd, 1), :]
    )
    m = jnp.max(logits, axis=1, keepdims=True)
    e = jnp.exp(logits - m)
    probs = e / jnp.sum(e, axis=1, keepdims=True)
    entropy = -jnp.sum(probs * jnp.log(probs + 1e-10)) * (1.0 / B)
    loss_ref[...] = jnp.reshape(-0.01 * entropy, (1, 1))
    row0 = probs[0:1, :]
    iota = lax.broadcasted_iota(jnp.int32, (1, D), 1)
    mx = jnp.max(row0)
    idx_ref[...] = jnp.reshape(jnp.min(jnp.where(row0 == mx, iota, D)), (1, 1))


def kernel(hidden_states, gates_W, gates_b, current_depth):
    h2 = hidden_states.reshape(B * S, H)
    sc_partials = _make_pool_sc()(h2)
    tc_sums = _tc_pool(hidden_states)
    cd = jnp.reshape(current_depth, (1, 1)).astype(jnp.int32)
    loss, idx = pl.pallas_call(
        _gate_body,
        in_specs=[
            pl.BlockSpec(memory_space=pltpu.SMEM),
            pl.BlockSpec(memory_space=pltpu.VMEM),
            pl.BlockSpec(memory_space=pltpu.VMEM),
            pl.BlockSpec(memory_space=pltpu.VMEM),
            pl.BlockSpec(memory_space=pltpu.VMEM),
        ],
        out_shape=(
            jax.ShapeDtypeStruct((1, 1), jnp.float32),
            jax.ShapeDtypeStruct((1, 1), jnp.int32),
        ),
    )(cd, sc_partials.reshape(B, WPB, H), tc_sums, gates_W, gates_b)
    return (loss[0, 0], idx[0, 0])

# --- scband reference (transcript-rebuilt; emitter-appended) ---
"""Pipeline reference for scband-pathfinder-90280212562572 (READ-ONLY COPY).

The authoritative reference and input builder live on the scoring server;
editing this copy changes nothing except your own understanding.
"""

import jax, jax.numpy as jnp
import numpy as np

B, S, H, D = 4, 8192, 2048, 16

def setup_inputs(seed: int = 0) -> dict:
    key = jax.random.key(seed)
    k1, k2 = jax.random.split(key, 2)
    hidden_states = jax.random.normal(k1, (B, S, H), dtype=jnp.float32)
    # one nn.Linear(hidden_size, depth) per depth level: weights [D, H, D], biases [D, D]
    gates_W = jax.random.normal(k2, (D, H, D), dtype=jnp.float32) * (1.0 / np.sqrt(H))
    gates_b = jnp.zeros((D, D), dtype=jnp.float32)
    return {"hidden_states": hidden_states, "gates_W": gates_W, "gates_b": gates_b, "current_depth": 0}

def reference(hidden_states, gates_W, gates_b, current_depth):
    # Pathfinder.get_next_expert, training branch
    pooled_hidden = hidden_states.mean(axis=1)                      # [B, H]
    gate_logits = pooled_hidden @ gates_W[current_depth] + gates_b[current_depth]  # [B, D]
    gate_probs = jax.nn.softmax(gate_logits, axis=1)
    entropy = -(gate_probs * jnp.log(gate_probs + 1e-10)).sum(axis=1).mean()
    gating_loss = -0.01 * entropy
    next_expert_idx = jnp.argmax(gate_probs, axis=1)[0]
    return (gating_loss, next_expert_idx)

if __name__ == "__main__":
    import jax
    _d = setup_inputs()
    print(jax.jit(kernel)(*tuple(_d.values())))

</pallas_src>

<mosaic_0001>
#map = affine_map<(d0, d1) -> (0, 0)>
module attributes {stable_mosaic.version = 14 : i64} {
  func.func @_pool_sc_body(%arg0: i32, %arg1: i32, %arg2: memref<32768x2048xf32, #tpu.memory_space<hbm>>, %arg3: memref<32x2048xf32, #tpu.memory_space<hbm>>, %arg4: memref<16x2048xf32, #tpu.memory_space<vmem>>, %arg5: memref<16x2048xf32, #tpu.memory_space<vmem>>, %arg6: memref<2048xf32, #tpu.memory_space<vmem>>, %arg7: memref<!tpu.dma_semaphore, #tpu.memory_space<semaphore_mem>>, %arg8: memref<!tpu.dma_semaphore, #tpu.memory_space<semaphore_mem>>) attributes {dimension_semantics = [#tpu.dimension_semantics<core_parallel>, #tpu.dimension_semantics<subcore_parallel>], iteration_bounds = array<i64: 2, 16>, scalar_prefetch = 0 : i64, scratch_operands = 5 : i64, tpu.core_type = #tpu.core_type<sc_vector_subcore>, window_params = [{transform_indices = #map}, {transform_indices = #map}]} {
    %mul3A = arith.constant 2 : i32
    %mul3A_0 = arith.muli %arg1, %mul3A : i32
    %add3A = arith.addi %mul3A_0, %arg0 : i32
    %jit3A = arith.constant 8 : i32
    %div3A = arith.divsi %add3A, %jit3A : i32
    %sign3A = arith.constant 0 : i32
    %sign3A_1 = arith.cmpi sgt, %add3A, %sign3A : i32
    %sign3A_2 = arith.extui %sign3A_1 : i1 to i32
    %sign3A_3 = arith.constant 0 : i32
    %sign3A_4 = arith.cmpi slt, %add3A, %sign3A_3 : i32
    %sign3A_5 = arith.extui %sign3A_4 : i1 to i32
    %sign3A_6 = arith.subi %sign3A_2, %sign3A_5 : i32
    %sign3A_7 = arith.constant 0 : i32
    %sign3A_8 = arith.cmpi sgt, %jit3A, %sign3A_7 : i32
    %sign3A_9 = arith.extui %sign3A_8 : i1 to i32
    %sign3A_10 = arith.constant 0 : i32
    %sign3A_11 = arith.cmpi slt, %jit3A, %sign3A_10 : i32
    %sign3A_12 = arith.extui %sign3A_11 : i1 to i32
    %sign3A_13 = arith.subi %sign3A_9, %sign3A_12 : i32
    %ne3A = arith.cmpi ne, %sign3A_6, %sign3A_13 : i32
    %rem3A = arith.remsi %add3A, %jit3A : i32
    %ne3A_14 = arith.constant 0 : i32
    %ne3A_15 = arith.cmpi ne, %rem3A, %ne3A_14 : i32
    %and3A = arith.andi %ne3A, %ne3A_15 : i1
    %sub3A = arith.constant 1 : i32
    %sub3A_16 = arith.subi %div3A, %sub3A : i32
    %select_n3A = arith.select %and3A, %sub3A_16, %div3A : i32
    %mul3A_17 = arith.constant 8192 : i32
    %mul3A_18 = arith.muli %select_n3A, %mul3A_17 : i32
    %add3A_19 = arith.constant 7168 : i32
    %add3A_20 = arith.addi %mul3A_18, %add3A_19 : i32
    %jit3A_21 = arith.constant 8 : i32
    %eq3A = arith.constant 0 : i32
    %eq3A_22 = arith.cmpi eq, %jit3A_21, %eq3A : i32
    %jit3A_23 = arith.constant 1 : i32
    %select_n3A_24 = arith.select %eq3A_22, %jit3A_23, %jit3A_21 : i32
    %rem3A_25 = arith.remsi %add3A, %select_n3A_24 : i32
    %ne3A_26 = arith.constant 0 : i32
    %ne3A_27 = arith.cmpi ne, %rem3A_25, %ne3A_26 : i32
    %lt3A = arith.constant 0 : i32
    %lt3A_28 = arith.cmpi slt, %rem3A_25, %lt3A : i32
    %lt3A_29 = arith.constant 0 : i32
    %lt3A_30 = arith.cmpi slt, %select_n3A_24, %lt3A_29 : i32
    %ne3A_31 = arith.xori %lt3A_28, %lt3A_30 : i1
    %and3A_32 = arith.andi %ne3A_31, %ne3A_27 : i1
    %add3A_33 = arith.addi %rem3A_25, %select_n3A_24 : i32
    %select_n3A_34 = arith.select %and3A_32, %add3A_33, %rem3A_25 : i32
    %mul3A_35 = arith.constant 128 : i32
    %mul3A_36 = arith.muli %select_n3A_34, %mul3A_35 : i32
    %add3A_37 = arith.addi %add3A_20, %mul3A_36 : i32
    %scan3A = arith.constant 0 : i32
    %scan3A_38 = arith.constant 0 : i32
    %scan3A_39 = arith.constant 128 : i32
    %scan3A_40 = arith.addi %scan3A_38, %scan3A_39 : i32
    %scan3A_41 = arith.constant 1 : i32
    %scan3A_42 = scf.for %scan3A_56 = %scan3A_38 to %scan3A_40 step %scan3A_41 iter_args(%scan3A_57 = %scan3A) -> (i32)  : i32 {
      %broadcast_in_dim3A = arith.constant 0.000000e+00 : f32
      %broadcast_in_dim3A_58 = vector.broadcast %broadcast_in_dim3A : f32 to vector<16xf32>
      %mul3A_59 = arith.constant 16 : i32
      %mul3A_60 = arith.muli %scan3A_56, %mul3A_59 : i32
      %swap3A = arith.index_cast %mul3A_60 : i32 to index
      %swap3A_61 = tpu.vector_load %arg6[%swap3A] {strides = array<i32>} : memref<2048xf32, #tpu.memory_space<vmem>>, vector<16xf32>,
      %swap3A_62 = vector.shape_cast %swap3A_61 : vector<16xf32> to vector<16xf32>
      %swap3A_63 = vector.shape_cast %broadcast_in_dim3A_58 : vector<16xf32> to vector<16xf32>
      tpu.vector_store %arg6[%swap3A], %swap3A_63 {strides = array<i32>} : memref<2048xf32, #tpu.memory_space<vmem>>, vector<16xf32>,
      %scan3A_64 = arith.constant 0 : i32
      scf.yield %scan3A_64 : i32
    }
    %scan3A_43 = arith.constant 128 : i32
    %add3A_44 = arith.constant 0 : i32
    %add3A_45 = arith.addi %add3A_37, %add3A_44 : i32
    %dma_start3A = arith.constant 0 : i32
    %dma_start3A_46 = tpu.memref_slice %arg2[%add3A_45, %dma_start3A] : memref<32768x2048xf32, #tpu.memory_space<hbm>> -> memref<16x2048xf32, #tpu.memory_space<hbm>>
    %dma_start3A_47 = arith.constant 0 : i32
    %dma_start3A_48 = tpu.memref_slice %arg2[%add3A_45, %dma_start3A_47] : memref<32768x2048xf32, #tpu.memory_space<hbm>> -> memref<16x2048xf32, #tpu.memory_space<hbm>>
    tpu.enqueue_dma source(%dma_start3A_48 : memref<16x2048xf32, #tpu.memory_space<hbm>>) target(%arg4 : memref<16x2048xf32, #tpu.memory_space<vmem>>) target_semaphore(%arg7 : memref<!tpu.dma_semaphore, #tpu.memory_space<semaphore_mem>>)
    %scan3A_49 = arith.constant 0 : i32
    %scan3A_50 = arith.constant 0 : i32
    %scan3A_51 = arith.constant 4 : i32
    %scan3A_52 = arith.addi %scan3A_50, %scan3A_51 : i32
    %scan3A_53 = arith.constant 1 : i32
    %scan3A_54 = scf.for %scan3A_56 = %scan3A_50 to %scan3A_52 step %scan3A_53 iter_args(%scan3A_57 = %scan3A_49) -> (i32)  : i32 {
      %mul3A_58 = arith.constant 2 : i32
      %mul3A_59 = arith.muli %scan3A_56, %mul3A_58 : i32
      %add3A_60 = arith.constant 1 : i32
      %add3A_61 = arith.addi %mul3A_59, %add3A_60 : i32
      %mul3A_62 = arith.constant 16 : i32
      %mul3A_63 = arith.muli %add3A_61, %mul3A_62 : i32
      %add3A_64 = arith.addi %add3A_37, %mul3A_63 : i32
      %dma_start3A_65 = arith.constant 0 : i32
      %dma_start3A_66 = tpu.memref_slice %arg2[%add3A_64, %dma_start3A_65] : memref<32768x2048xf32, #tpu.memory_space<hbm>> -> memref<16x2048xf32, #tpu.memory_space<hbm>>
      %dma_start3A_67 = arith.constant 0 : i32
      %dma_start3A_68 = tpu.memref_slice %arg2[%add3A_64, %dma_start3A_67] : memref<32768x2048xf32, #tpu.memory_space<hbm>> -> memref<16x2048xf32, #tpu.memory_space<hbm>>
      tpu.enqueue_dma source(%dma_start3A_68 : memref<16x2048xf32, #tpu.memory_space<hbm>>) target(%arg5 : memref<16x2048xf32, #tpu.memory_space<vmem>>) target_semaphore(%arg8 : memref<!tpu.dma_semaphore, #tpu.memory_space<semaphore_mem>>)
      %dma_wait3A = arith.constant 0 : i32
      %dma_wait3A_69 = tpu.memref_slice %arg2[%add3A_37, %dma_wait3A] : memref<32768x2048xf32, #tpu.memory_space<hbm>> -> memref<16x2048xf32, #tpu.memory_space<hbm>>
      %dma_wait3A_70 = arith.constant 0 : i32
      %dma_wait3A_71 = tpu.memref_slice %arg2[%add3A_37, %dma_wait3A_70] : memref<32768x2048xf32, #tpu.memory_space<hbm>> -> memref<16x2048xf32, #tpu.memory_space<hbm>>
      tpu.wait_dma2 semaphore(%arg7 : memref<!tpu.dma_semaphore, #tpu.memory_space<semaphore_mem>>) src(%dma_wait3A_71 : memref<16x2048xf32, #tpu.memory_space<hbm>>) dst(%arg4 : memref<16x2048xf32, #tpu.memory_space<vmem>>)
      %scan3A_72 = arith.constant 0 : i32
      %scan3A_73 = arith.constant 0 : i32
      %scan3A_74 = arith.constant 64 : i32
      %scan3A_75 = arith.addi %scan3A_73, %scan3A_74 : i32
      %scan3A_76 = arith.constant 1 : i32
      %scan3A_77 = scf.for %scan3A_94 = %scan3A_73 to %scan3A_75 step %scan3A_76 iter_args(%scan3A_95 = %scan3A_72) -> (i32)  : i32 {
        %mul3A_96 = arith.constant 2 : i32
        %mul3A_97 = arith.muli %scan3A_94, %mul3A_96 : i32
        %add3A_98 = arith.constant 0 : i32
        %add3A_99 = arith.addi %mul3A_97, %add3A_98 : i32
        %mul3A_100 = arith.constant 16 : i32
        %mul3A_101 = arith.muli %add3A_99, %mul3A_100 : i32
        %get3A = arith.constant 0 : i32
        %get3A_102 = arith.index_cast %get3A : i32 to index
        %get3A_103 = arith.index_cast %mul3A_101 : i32 to index
        %get3A_104 = tpu.vector_load %arg4[%get3A_102, %get3A_103] {strides = array<i32>} : memref<16x2048xf32, #tpu.memory_space<vmem>>, vector<1x16xf32>,
        %get3A_105 = vector.shape_cast %get3A_104 : vector<1x16xf32> to vector<16xf32>
        %get3A_106 = arith.constant 1 : i32
        %get3A_107 = arith.index_cast %get3A_106 : i32 to index
        %get3A_108 = arith.index_cast %mul3A_101 : i32 to index
        %get3A_109 = tpu.vector_load %arg4[%get3A_107, %get3A_108] {strides = array<i32>} : memref<16x2048xf32, #tpu.memory_space<vmem>>, vector<1x16xf32>,
        %get3A_110 = vector.shape_cast %get3A_109 : vector<1x16xf32> to vector<16xf32>
        %get3A_111 = arith.constant 2 : i32
        %get3A_112 = arith.index_cast %get3A_111 : i32 to index
        %get3A_113 = arith.index_cast %mul3A_101 : i32 to index
        %get3A_114 = tpu.vector_load %arg4[%get3A_112, %get3A_113] {strides = array<i32>} : memref<16x2048xf32, #tpu.memory_space<vmem>>, vector<1x16xf32>,
        %get3A_115 = vector.shape_cast %get3A_114 : vector<1x16xf32> to vector<16xf32>
        %get3A_116 = arith.constant 3 : i32
        %get3A_117 = arith.index_cast %get3A_116 : i32 to index
        %get3A_118 = arith.index_cast %mul3A_101 : i32 to index
        %get3A_119 = tpu.vector_load %arg4[%get3A_117, %get3A_118] {strides = array<i32>} : memref<16x2048xf32, #tpu.memory_space<vmem>>, vector<1x16xf32>,
        %get3A_120 = vector.shape_cast %get3A_119 : vector<1x16xf32> to vector<16xf32>
        %get3A_121 = arith.constant 4 : i32
        %get3A_122 = arith.index_cast %get3A_121 : i32 to index
        %get3A_123 = arith.index_cast %mul3A_101 : i32 to index
        %get3A_124 = tpu.vector_load %arg4[%get3A_122, %get3A_123] {strides = array<i32>} : memref<16x2048xf32, #tpu.memory_space<vmem>>, vector<1x16xf32>,
        %get3A_125 = vector.shape_cast %get3A_124 : vector<1x16xf32> to vector<16xf32>
        %get3A_126 = arith.constant 5 : i32
        %get3A_127 = arith.index_cast %get3A_126 : i32 to index
        %get3A_128 = arith.index_cast %mul3A_101 : i32 to index
        %get3A_129 = tpu.vector_load %arg4[%get3A_127, %get3A_128] {strides = array<i32>} : memref<16x2048xf32, #tpu.memory_space<vmem>>, vector<1x16xf32>,
        %get3A_130 = vector.shape_cast %get3A_129 : vector<1x16xf32> to vector<16xf32>
        %get3A_131 = arith.constant 6 : i32
        %get3A_132 = arith.index_cast %get3A_131 : i32 to index
        %get3A_133 = arith.index_cast %mul3A_101 : i32 to index
        %get3A_134 = tpu.vector_load %arg4[%get3A_132, %get3A_133] {strides = array<i32>} : memref<16x2048xf32, #tpu.memory_space<vmem>>, vector<1x16xf32>,
        %get3A_135 = vector.shape_cast %get3A_134 : vector<1x16xf32> to vector<16xf32>
        %get3A_136 = arith.constant 7 : i32
        %get3A_137 = arith.index_cast %get3A_136 : i32 to index
        %get3A_138 = arith.index_cast %mul3A_101 : i32 to index
        %get3A_139 = tpu.vector_load %arg4[%get3A_137, %get3A_138] {strides = array<i32>} : memref<16x2048xf32, #tpu.memory_space<vmem>>, vector<1x16xf32>,
        %get3A_140 = vector.shape_cast %get3A_139 : vector<1x16xf32> to vector<16xf32>
        %get3A_141 = arith.constant 8 : i32
        %get3A_142 = arith.index_cast %get3A_141 : i32 to index
        %get3A_143 = arith.index_cast %mul3A_101 : i32 to index
        %get3A_144 = tpu.vector_load %arg4[%get3A_142, %get3A_143] {strides = array<i32>} : memref<16x2048xf32, #tpu.memory_space<vmem>>, vector<1x16xf32>,
        %get3A_145 = vector.shape_cast %get3A_144 : vector<1x16xf32> to vector<16xf32>
        %get3A_146 = arith.constant 9 : i32
        %get3A_147 = arith.index_cast %get3A_146 : i32 to index
        %get3A_148 = arith.index_cast %mul3A_101 : i32 to index
        %get3A_149 = tpu.vector_load %arg4[%get3A_147, %get3A_148] {strides = array<i32>} : memref<16x2048xf32, #tpu.memory_space<vmem>>, vector<1x16xf32>,
        %get3A_150 = vector.shape_cast %get3A_149 : vector<1x16xf32> to vector<16xf32>
        %get3A_151 = arith.constant 10 : i32
        %get3A_152 = arith.index_cast %get3A_151 : i32 to index
        %get3A_153 = arith.index_cast %mul3A_101 : i32 to index
        %get3A_154 = tpu.vector_load %arg4[%get3A_152, %get3A_153] {strides = array<i32>} : memref<16x2048xf32, #tpu.memory_space<vmem>>, vector<1x16xf32>,
        %get3A_155 = vector.shape_cast %get3A_154 : vector<1x16xf32> to vector<16xf32>
        %get3A_156 = arith.constant 11 : i32
        %get3A_157 = arith.index_cast %get3A_156 : i32 to index
        %get3A_158 = arith.index_cast %mul3A_101 : i32 to index
        %get3A_159 = tpu.vector_load %arg4[%get3A_157, %get3A_158] {strides = array<i32>} : memref<16x2048xf32, #tpu.memory_space<vmem>>, vector<1x16xf32>,
        %get3A_160 = vector.shape_cast %get3A_159 : vector<1x16xf32> to vector<16xf32>
        %get3A_161 = arith.constant 12 : i32
        %get3A_162 = arith.index_cast %get3A_161 : i32 to index
        %get3A_163 = arith.index_cast %mul3A_101 : i32 to index
        %get3A_164 = tpu.vector_load %arg4[%get3A_162, %get3A_163] {strides = array<i32>} : memref<16x2048xf32, #tpu.memory_space<vmem>>, vector<1x16xf32>,
        %get3A_165 = vector.shape_cast %get3A_164 : vector<1x16xf32> to vector<16xf32>
        %get3A_166 = arith.constant 13 : i32
        %get3A_167 = arith.index_cast %get3A_166 : i32 to index
        %get3A_168 = arith.index_cast %mul3A_101 : i32 to index
        %get3A_169 = tpu.vector_load %arg4[%get3A_167, %get3A_168] {strides = array<i32>} : memref<16x2048xf32, #tpu.memory_space<vmem>>, vector<1x16xf32>,
        %get3A_170 = vector.shape_cast %get3A_169 : vector<1x16xf32> to vector<16xf32>
        %get3A_171 = arith.constant 14 : i32
        %get3A_172 = arith.index_cast %get3A_171 : i32 to index
        %get3A_173 = arith.index_cast %mul3A_101 : i32 to index
        %get3A_174 = tpu.vector_load %arg4[%get3A_172, %get3A_173] {strides = array<i32>} : memref<16x2048xf32, #tpu.memory_space<vmem>>, vector<1x16xf32>,
        %get3A_175 = vector.shape_cast %get3A_174 : vector<1x16xf32> to vector<16xf32>
        %get3A_176 = arith.constant 15 : i32
        %get3A_177 = arith.index_cast %get3A_176 : i32 to index
        %get3A_178 = arith.index_cast %mul3A_101 : i32 to index
        %get3A_179 = tpu.vector_load %arg4[%get3A_177, %get3A_178] {strides = array<i32>} : memref<16x2048xf32, #tpu.memory_space<vmem>>, vector<1x16xf32>,
        %get3A_180 = vector.shape_cast %get3A_179 : vector<1x16xf32> to vector<16xf32>
        %add3A_181 = arith.addf %get3A_105, %get3A_110 : vector<16xf32>
        %add3A_182 = arith.addf %get3A_115, %get3A_120 : vector<16xf32>
        %add3A_183 = arith.addf %get3A_125, %get3A_130 : vector<16xf32>
        %add3A_184 = arith.addf %get3A_135, %get3A_140 : vector<16xf32>
        %add3A_185 = arith.addf %get3A_145, %get3A_150 : vector<16xf32>
        %add3A_186 = arith.addf %get3A_155, %get3A_160 : vector<16xf32>
        %add3A_187 = arith.addf %get3A_165, %get3A_170 : vector<16xf32>
        %add3A_188 = arith.addf %get3A_175, %get3A_180 : vector<16xf32>
        %add3A_189 = arith.addf %add3A_181, %add3A_182 : vector<16xf32>
        %add3A_190 = arith.addf %add3A_183, %add3A_184 : vector<16xf32>
        %add3A_191 = arith.addf %add3A_185, %add3A_186 : vector<16xf32>
        %add3A_192 = arith.addf %add3A_187, %add3A_188 : vector<16xf32>
        %add3A_193 = arith.addf %add3A_189, %add3A_190 : vector<16xf32>
        %add3A_194 = arith.addf %add3A_191, %add3A_192 : vector<16xf32>
        %add3A_195 = arith.addf %add3A_193, %add3A_194 : vector<16xf32>
        %get3A_196 = arith.index_cast %mul3A_101 : i32 to index
        %get3A_197 = tpu.vector_load %arg6[%get3A_196] {strides = array<i32>} : memref<2048xf32, #tpu.memory_space<vmem>>, vector<16xf32>,
        %get3A_198 = vector.shape_cast %get3A_197 : vector<16xf32> to vector<16xf32>
        %add3A_199 = arith.addf %get3A_198, %add3A_195 : vector<16xf32>
        %swap3A = arith.index_cast %mul3A_101 : i32 to index
        %swap3A_200 = tpu.vector_load %arg6[%swap3A] {strides = array<i32>} : memref<2048xf32, #tpu.memory_space<vmem>>, vector<16xf32>,
        %swap3A_201 = vector.shape_cast %swap3A_200 : vector<16xf32> to vector<16xf32>
        %swap3A_202 = vector.shape_cast %add3A_199 : vector<16xf32> to vector<16xf32>
        tpu.vector_store %arg6[%swap3A], %swap3A_202 {strides = array<i32>} : memref<2048xf32, #tpu.memory_space<vmem>>, vector<16xf32>,
        %mul3A_203 = arith.constant 2 : i32
        %mul3A_204 = arith.muli %scan3A_94, %mul3A_203 : i32
        %add3A_205 = arith.constant 1 : i32
        %add3A_206 = arith.addi %mul3A_204, %add3A_205 : i32
        %mul3A_207 = arith.constant 16 : i32
        %mul3A_208 = arith.muli %add3A_206, %mul3A_207 : i32
        %get3A_209 = arith.constant 0 : i32
        %get3A_210 = arith.index_cast %get3A_209 : i32 to index
        %get3A_211 = arith.index_cast %mul3A_208 : i32 to index
        %get3A_212 = tpu.vector_load %arg4[%get3A_210, %get3A_211] {strides = array<i32>} : memref<16x2048xf32, #tpu.memory_space<vmem>>, vector<1x16xf32>,
        %get3A_213 = vector.shape_cast %get3A_212 : vector<1x16xf32> to vector<16xf32>
        %get3A_214 = arith.constant 1 : i32
        %get3A_215 = arith.index_cast %get3A_214 : i32 to index
        %get3A_216 = arith.index_cast %mul3A_208 : i32 to index
        %get3A_217 = tpu.vector_load %arg4[%get3A_215, %get3A_216] {strides = array<i32>} : memref<16x2048xf32, #tpu.memory_space<vmem>>, vector<1x16xf32>,
        %get3A_218 = vector.shape_cast %get3A_217 : vector<1x16xf32> to vector<16xf32>
        %get3A_219 = arith.constant 2 : i32
        %get3A_220 = arith.index_cast %get3A_219 : i32 to index
        %get3A_221 = arith.index_cast %mul3A_208 : i32 to index
        %get3A_222 = tpu.vector_load %arg4[%get3A_220, %get3A_221] {strides = array<i32>} : memref<16x2048xf32, #tpu.memory_space<vmem>>, vector<1x16xf32>,
        %get3A_223 = vector.shape_cast %get3A_222 : vector<1x16xf32> to vector<16xf32>
        %get3A_224 = arith.constant 3 : i32
        %get3A_225 = arith.index_cast %get3A_224 : i32 to index
        %get3A_226 = arith.index_cast %mul3A_208 : i32 to index
        %get3A_227 = tpu.vector_load %arg4[%get3A_225, %get3A_226] {strides = array<i32>} : memref<16x2048xf32, #tpu.memory_space<vmem>>, vector<1x16xf32>,
        %get3A_228 = vector.shape_cast %get3A_227 : vector<1x16xf32> to vector<16xf32>
        %get3A_229 = arith.constant 4 : i32
        %get3A_230 = arith.index_cast %get3A_229 : i32 to index
        %get3A_231 = arith.index_cast %mul3A_208 : i32 to index
        %get3A_232 = tpu.vector_load %arg4[%get3A_230, %get3A_231] {strides = array<i32>} : memref<16x2048xf32, #tpu.memory_space<vmem>>, vector<1x16xf32>,
        %get3A_233 = vector.shape_cast %get3A_232 : vector<1x16xf32> to vector<16xf32>
        %get3A_234 = arith.constant 5 : i32
        %get3A_235 = arith.index_cast %get3A_234 : i32 to index
        %get3A_236 = arith.index_cast %mul3A_208 : i32 to index
        %get3A_237 = tpu.vector_load %arg4[%get3A_235, %get3A_236] {strides = array<i32>} : memref<16x2048xf32, #tpu.memory_space<vmem>>, vector<1x16xf32>,
        %get3A_238 = vector.shape_cast %get3A_237 : vector<1x16xf32> to vector<16xf32>
        %get3A_239 = arith.constant 6 : i32
        %get3A_240 = arith.index_cast %get3A_239 : i32 to index
        %get3A_241 = arith.index_cast %mul3A_208 : i32 to index
        %get3A_242 = tpu.vector_load %arg4[%get3A_240, %get3A_241] {strides = array<i32>} : memref<16x2048xf32, #tpu.memory_space<vmem>>, vector<1x16xf32>,
        %get3A_243 = vector.shape_cast %get3A_242 : vector<1x16xf32> to vector<16xf32>
        %get3A_244 = arith.constant 7 : i32
        %get3A_245 = arith.index_cast %get3A_244 : i32 to index
        %get3A_246 = arith.index_cast %mul3A_208 : i32 to index
        %get3A_247 = tpu.vector_load %arg4[%get3A_245, %get3A_246] {strides = array<i32>} : memref<16x2048xf32, #tpu.memory_space<vmem>>, vector<1x16xf32>,
        %get3A_248 = vector.shape_cast %get3A_247 : vector<1x16xf32> to vector<16xf32>
        %get3A_249 = arith.constant 8 : i32
        %get3A_250 = arith.index_cast %get3A_249 : i32 to index
        %get3A_251 = arith.index_cast %mul3A_208 : i32 to index
        %get3A_252 = tpu.vector_load %arg4[%get3A_250, %get3A_251] {strides = array<i32>} : memref<16x2048xf32, #tpu.memory_space<vmem>>, vector<1x16xf32>,
        %get3A_253 = vector.shape_cast %get3A_252 : vector<1x16xf32> to vector<16xf32>
        %get3A_254 = arith.constant 9 : i32
        %get3A_255 = arith.index_cast %get3A_254 : i32 to index
        %get3A_256 = arith.index_cast %mul3A_208 : i32 to index
        %get3A_257 = tpu.vector_load %arg4[%get3A_255, %get3A_256] {strides = array<i32>} : memref<16x2048xf32, #tpu.memory_space<vmem>>, vector<1x16xf32>,
        %get3A_258 = vector.shape_cast %get3A_257 : vector<1x16xf32> to vector<16xf32>
        %get3A_259 = arith.constant 10 : i32
        %get3A_260 = arith.index_cast %get3A_259 : i32 to index
        %get3A_261 = arith.index_cast %mul3A_208 : i32 to index
        %get3A_262 = tpu.vector_load %arg4[%get3A_260, %get3A_261] {strides = array<i32>} : memref<16x2048xf32, #tpu.memory_space<vmem>>, vector<1x16xf32>,
        %get3A_263 = vector.shape_cast %get3A_262 : vector<1x16xf32> to vector<16xf32>
        %get3A_264 = arith.constant 11 : i32
        %get3A_265 = arith.index_cast %get3A_264 : i32 to index
        %get3A_266 = arith.index_cast %mul3A_208 : i32 to index
        %get3A_267 = tpu.vector_load %arg4[%get3A_265, %get3A_266] {strides = array<i32>} : memref<16x2048xf32, #tpu.memory_space<vmem>>, vector<1x16xf32>,
        %get3A_268 = vector.shape_cast %get3A_267 : vector<1x16xf32> to vector<16xf32>
        %get3A_269 = arith.constant 12 : i32
        %get3A_270 = arith.index_cast %get3A_269 : i32 to index
        %get3A_271 = arith.index_cast %mul3A_208 : i32 to index
        %get3A_272 = tpu.vector_load %arg4[%get3A_270, %get3A_271] {strides = array<i32>} : memref<16x2048xf32, #tpu.memory_space<vmem>>, vector<1x16xf32>,
        %get3A_273 = vector.shape_cast %get3A_272 : vector<1x16xf32> to vector<16xf32>
        %get3A_274 = arith.constant 13 : i32
        %get3A_275 = arith.index_cast %get3A_274 : i32 to index
        %get3A_276 = arith.index_cast %mul3A_208 : i32 to index
        %get3A_277 = tpu.vector_load %arg4[%get3A_275, %get3A_276] {strides = array<i32>} : memref<16x2048xf32, #tpu.memory_space<vmem>>, vector<1x16xf32>,
        %get3A_278 = vector.shape_cast %get3A_277 : vector<1x16xf32> to vector<16xf32>
        %get3A_279 = arith.constant 14 : i32
        %get3A_280 = arith.index_cast %get3A_279 : i32 to index
        %get3A_281 = arith.index_cast %mul3A_208 : i32 to index
        %get3A_282 = tpu.vector_load %arg4[%get3A_280, %get3A_281] {strides = array<i32>} : memref<16x2048xf32, #tpu.memory_space<vmem>>, vector<1x16xf32>,
        %get3A_283 = vector.shape_cast %get3A_282 : vector<1x16xf32> to vector<16xf32>
        %get3A_284 = arith.constant 15 : i32
        %get3A_285 = arith.index_cast %get3A_284 : i32 to index
        %get3A_286 = arith.index_cast %mul3A_208 : i32 to index
        %get3A_287 = tpu.vector_load %arg4[%get3A_285, %get3A_286] {strides = array<i32>} : memref<16x2048xf32, #tpu.memory_space<vmem>>, vector<1x16xf32>,
        %get3A_288 = vector.shape_cast %get3A_287 : vector<1x16xf32> to vector<16xf32>
        %add3A_289 = arith.addf %get3A_213, %get3A_218 : vector<16xf32>
        %add3A_290 = arith.addf %get3A_223, %get3A_228 : vector<16xf32>
        %add3A_291 = arith.addf %get3A_233, %get3A_238 : vector<16xf32>
        %add3A_292 = arith.addf %get3A_243, %get3A_248 : vector<16xf32>
        %add3A_293 = arith.addf %get3A_253, %get3A_258 : vector<16xf32>
        %add3A_294 = arith.addf %get3A_263, %get3A_268 : vector<16xf32>
        %add3A_295 = arith.addf %get3A_273, %get3A_278 : vector<16xf32>
        %add3A_296 = arith.addf %get3A_283, %get3A_288 : vector<16xf32>
        %add3A_297 = arith.addf %add3A_289, %add3A_290 : vector<16xf32>
        %add3A_298 = arith.addf %add3A_291, %add3A_292 : vector<16xf32>
        %add3A_299 = arith.addf %add3A_293, %add3A_294 : vector<16xf32>
        %add3A_300 = arith.addf %add3A_295, %add3A_296 : vector<16xf32>
        %add3A_301 = arith.addf %add3A_297, %add3A_298 : vector<16xf32>
        %add3A_302 = arith.addf %add3A_299, %add3A_300 : vector<16xf32>
        %add3A_303 = arith.addf %add3A_301, %add3A_302 : vector<16xf32>
        %get3A_304 = arith.index_cast %mul3A_208 : i32 to index
        %get3A_305 = tpu.vector_load %arg6[%get3A_304] {strides = array<i32>} : memref<2048xf32, #tpu.memory_space<vmem>>, vector<16xf32>,
        %get3A_306 = vector.shape_cast %get3A_305 : vector<16xf32> to vector<16xf32>
        %add3A_307 = arith.addf %get3A_306, %add3A_303 : vector<16xf32>
        %swap3A_308 = arith.index_cast %mul3A_208 : i32 to index
        %swap3A_309 = tpu.vector_load %arg6[%swap3A_308] {strides = array<i32>} : memref<2048xf32, #tpu.memory_space<vmem>>, vector<16xf32>,
        %swap3A_310 = vector.shape_cast %swap3A_309 : vector<16xf32> to vector<16xf32>
        %swap3A_311 = vector.shape_cast %add3A_307 : vector<16xf32> to vector<16xf32>
        tpu.vector_store %arg6[%swap3A_308], %swap3A_311 {strides = array<i32>} : memref<2048xf32, #tpu.memory_space<vmem>>, vector<16xf32>,
        %scan3A_312 = arith.constant 0 : i32
        scf.yield %scan3A_312 : i32
      }
      %scan3A_78 = arith.constant 64 : i32
      %lt3A_79 = arith.constant 3 : i32
      %lt3A_80 = arith.cmpi slt, %scan3A_56, %lt3A_79 : i32
      %convert_element_type3A = arith.extui %lt3A_80 : i1 to i32
      %cond3A = arith.constant 0 : i32
      %cond3A_81 = arith.cmpi ne, %convert_element_type3A, %cond3A : i32
      scf.if %cond3A_81 {
        %add3A_94 = arith.constant 2 : i32
        %add3A_95 = arith.addi %mul3A_59, %add3A_94 : i32
        %mul3A_96 = arith.constant 16 : i32
        %mul3A_97 = arith.muli %add3A_95, %mul3A_96 : i32
        %add3A_98 = arith.addi %add3A_37, %mul3A_97 : i32
        %dma_start3A_99 = arith.constant 0 : i32
        %dma_start3A_100 = tpu.memref_slice %arg2[%add3A_98, %dma_start3A_99] : memref<32768x2048xf32, #tpu.memory_space<hbm>> -> memref<16x2048xf32, #tpu.memory_space<hbm>>
        %dma_start3A_101 = arith.constant 0 : i32
        %dma_start3A_102 = tpu.memref_slice %arg2[%add3A_98, %dma_start3A_101] : memref<32768x2048xf32, #tpu.memory_space<hbm>> -> memref<16x2048xf32, #tpu.memory_space<hbm>>
        tpu.enqueue_dma source(%dma_start3A_102 : memref<16x2048xf32, #tpu.memory_space<hbm>>) target(%arg4 : memref<16x2048xf32, #tpu.memory_space<vmem>>) target_semaphore(%arg7 : memref<!tpu.dma_semaphore, #tpu.memory_space<semaphore_mem>>)
      } else {
      }
      %dma_wait3A_82 = arith.constant 0 : i32
      %dma_wait3A_83 = tpu.memref_slice %arg2[%add3A_37, %dma_wait3A_82] : memref<32768x2048xf32, #tpu.memory_space<hbm>> -> memref<16x2048xf32, #tpu.memory_space<hbm>>
      %dma_wait3A_84 = arith.constant 0 : i32
      %dma_wait3A_85 = tpu.memref_slice %arg2[%add3A_37, %dma_wait3A_84] : memref<32768x2048xf32, #tpu.memory_space<hbm>> -> memref<16x2048xf32, #tpu.memory_space<hbm>>
      tpu.wait_dma2 semaphore(%arg8 : memref<!tpu.dma_semaphore, #tpu.memory_space<semaphore_mem>>) src(%dma_wait3A_85 : memref<16x2048xf32, #tpu.memory_space<hbm>>) dst(%arg5 : memref<16x2048xf32, #tpu.memory_space<vmem>>)
      %scan3A_86 = arith.constant 0 : i32
      %scan3A_87 = arith.constant 0 : i32
      %scan3A_88 = arith.constant 64 : i32
      %scan3A_89 = arith.addi %scan3A_87, %scan3A_88 : i32
      %scan3A_90 = arith.constant 1 : i32
      %scan3A_91 = scf.for %scan3A_94 = %scan3A_87 to %scan3A_89 step %scan3A_90 iter_args(%scan3A_95 = %scan3A_86) -> (i32)  : i32 {
        %mul3A_96 = arith.constant 2 : i32
        %mul3A_97 = arith.muli %scan3A_94, %mul3A_96 : i32
        %add3A_98 = arith.constant 0 : i32
        %add3A_99 = arith.addi %mul3A_97, %add3A_98 : i32
        %mul3A_100 = arith.constant 16 : i32
        %mul3A_101 = arith.muli %add3A_99, %mul3A_100 : i32
        %get3A = arith.constant 0 : i32
        %get3A_102 = arith.index_cast %get3A : i32 to index
        %get3A_103 = arith.index_cast %mul3A_101 : i32 to index
        %get3A_104 = tpu.vector_load %arg5[%get3A_102, %get3A_103] {strides = array<i32>} : memref<16x2048xf32, #tpu.memory_space<vmem>>, vector<1x16xf32>,
        %get3A_105 = vector.shape_cast %get3A_104 : vector<1x16xf32> to vector<16xf32>
        %get3A_106 = arith.constant 1 : i32
        %get3A_107 = arith.index_cast %get3A_106 : i32 to index
        %get3A_108 = arith.index_cast %mul3A_101 : i32 to index
        %get3A_109 = tpu.vector_load %arg5[%get3A_107, %get3A_108] {strides = array<i32>} : memref<16x2048xf32, #tpu.memory_space<vmem>>, vector<1x16xf32>,
        %get3A_110 = vector.shape_cast %get3A_109 : vector<1x16xf32> to vector<16xf32>
        %get3A_111 = arith.constant 2 : i32
        %get3A_112 = arith.index_cast %get3A_111 : i32 to index
        %get3A_113 = arith.index_cast %mul3A_101 : i32 to index
        %get3A_114 = tpu.vector_load %arg5[%get3A_112, %get3A_113] {strides = array<i32>} : memref<16x2048xf32, #tpu.memory_space<vmem>>, vector<1x16xf32>,
        %get3A_115 = vector.shape_cast %get3A_114 : vector<1x16xf32> to vector<16xf32>
        %get3A_116 = arith.constant 3 : i32
        %get3A_117 = arith.index_cast %get3A_116 : i32 to index
        %get3A_118 = arith.index_cast %mul3A_101 : i32 to index
        %get3A_119 = tpu.vector_load %arg5[%get3A_117, %get3A_118] {strides = array<i32>} : memref<16x2048xf32, #tpu.memory_space<vmem>>, vector<1x16xf32>,
        %get3A_120 = vector.shape_cast %get3A_119 : vector<1x16xf32> to vector<16xf32>
        %get3A_121 = arith.constant 4 : i32
        %get3A_122 = arith.index_cast %get3A_121 : i32 to index
        %get3A_123 = arith.index_cast %mul3A_101 : i32 to index
        %get3A_124 = tpu.vector_load %arg5[%get3A_122, %get3A_123] {strides = array<i32>} : memref<16x2048xf32, #tpu.memory_space<vmem>>, vector<1x16xf32>,
        %get3A_125 = vector.shape_cast %get3A_124 : vector<1x16xf32> to vector<16xf32>
        %get3A_126 = arith.constant 5 : i32
        %get3A_127 = arith.index_cast %get3A_126 : i32 to index
        %get3A_128 = arith.index_cast %mul3A_101 : i32 to index
        %get3A_129 = tpu.vector_load %arg5[%get3A_127, %get3A_128] {strides = array<i32>} : memref<16x2048xf32, #tpu.memory_space<vmem>>, vector<1x16xf32>,
        %get3A_130 = vector.shape_cast %get3A_129 : vector<1x16xf32> to vector<16xf32>
        %get3A_131 = arith.constant 6 : i32
        %get3A_132 = arith.index_cast %get3A_131 : i32 to index
        %get3A_133 = arith.index_cast %mul3A_101 : i32 to index
        %get3A_134 = tpu.vector_load %arg5[%get3A_132, %get3A_133] {strides = array<i32>} : memref<16x2048xf32, #tpu.memory_space<vmem>>, vector<1x16xf32>,
        %get3A_135 = vector.shape_cast %get3A_134 : vector<1x16xf32> to vector<16xf32>
        %get3A_136 = arith.constant 7 : i32
        %get3A_137 = arith.index_cast %get3A_136 : i32 to index
        %get3A_138 = arith.index_cast %mul3A_101 : i32 to index
        %get3A_139 = tpu.vector_load %arg5[%get3A_137, %get3A_138] {strides = array<i32>} : memref<16x2048xf32, #tpu.memory_space<vmem>>, vector<1x16xf32>,
        %get3A_140 = vector.shape_cast %get3A_139 : vector<1x16xf32> to vector<16xf32>
        %get3A_141 = arith.constant 8 : i32
        %get3A_142 = arith.index_cast %get3A_141 : i32 to index
        %get3A_143 = arith.index_cast %mul3A_101 : i32 to index
        %get3A_144 = tpu.vector_load %arg5[%get3A_142, %get3A_143] {strides = array<i32>} : memref<16x2048xf32, #tpu.memory_space<vmem>>, vector<1x16xf32>,
        %get3A_145 = vector.shape_cast %get3A_144 : vector<1x16xf32> to vector<16xf32>
        %get3A_146 = arith.constant 9 : i32
        %get3A_147 = arith.index_cast %get3A_146 : i32 to index
        %get3A_148 = arith.index_cast %mul3A_101 : i32 to index
        %get3A_149 = tpu.vector_load %arg5[%get3A_147, %get3A_148] {strides = array<i32>} : memref<16x2048xf32, #tpu.memory_space<vmem>>, vector<1x16xf32>,
        %get3A_150 = vector.shape_cast %get3A_149 : vector<1x16xf32> to vector<16xf32>
        %get3A_151 = arith.constant 10 : i32
        %get3A_152 = arith.index_cast %get3A_151 : i32 to index
        %get3A_153 = arith.index_cast %mul3A_101 : i32 to index
        %get3A_154 = tpu.vector_load %arg5[%get3A_152, %get3A_153] {strides = array<i32>} : memref<16x2048xf32, #tpu.memory_space<vmem>>, vector<1x16xf32>,
        %get3A_155 = vector.shape_cast %get3A_154 : vector<1x16xf32> to vector<16xf32>
        %get3A_156 = arith.constant 11 : i32
        %get3A_157 = arith.index_cast %get3A_156 : i32 to index
        %get3A_158 = arith.index_cast %mul3A_101 : i32 to index
        %get3A_159 = tpu.vector_load %arg5[%get3A_157, %get3A_158] {strides = array<i32>} : memref<16x2048xf32, #tpu.memory_space<vmem>>, vector<1x16xf32>,
        %get3A_160 = vector.shape_cast %get3A_159 : vector<1x16xf32> to vector<16xf32>
        %get3A_161 = arith.constant 12 : i32
        %get3A_162 = arith.index_cast %get3A_161 : i32 to index
        %get3A_163 = arith.index_cast %mul3A_101 : i32 to index
        %get3A_164 = tpu.vector_load %arg5[%get3A_162, %get3A_163] {strides = array<i32>} : memref<16x2048xf32, #tpu.memory_space<vmem>>, vector<1x16xf32>,
        %get3A_165 = vector.shape_cast %get3A_164 : vector<1x16xf32> to vector<16xf32>
        %get3A_166 = arith.constant 13 : i32
        %get3A_167 = arith.index_cast %get3A_166 : i32 to index
        %get3A_168 = arith.index_cast %mul3A_101 : i32 to index
        %get3A_169 = tpu.vector_load %arg5[%get3A_167, %get3A_168] {strides = array<i32>} : memref<16x2048xf32, #tpu.memory_space<vmem>>, vector<1x16xf32>,
        %get3A_170 = vector.shape_cast %get3A_169 : vector<1x16xf32> to vector<16xf32>
        %get3A_171 = arith.constant 14 : i32
        %get3A_172 = arith.index_cast %get3A_171 : i32 to index
        %get3A_173 = arith.index_cast %mul3A_101 : i32 to index
        %get3A_174 = tpu.vector_load %arg5[%get3A_172, %get3A_173] {strides = array<i32>} : memref<16x2048xf32, #tpu.memory_space<vmem>>, vector<1x16xf32>,
        %get3A_175 = vector.shape_cast %get3A_174 : vector<1x16xf32> to vector<16xf32>
        %get3A_176 = arith.constant 15 : i32
        %get3A_177 = arith.index_cast %get3A_176 : i32 to index
        %get3A_178 = arith.index_cast %mul3A_101 : i32 to index
        %get3A_179 = tpu.vector_load %arg5[%get3A_177, %get3A_178] {strides = array<i32>} : memref<16x2048xf32, #tpu.memory_space<vmem>>, vector<1x16xf32>,
        %get3A_180 = vector.shape_cast %get3A_179 : vector<1x16xf32> to vector<16xf32>
        %add3A_181 = arith.addf %get3A_105, %get3A_110 : vector<16xf32>
        %add3A_182 = arith.addf %get3A_115, %get3A_120 : vector<16xf32>
        %add3A_183 = arith.addf %get3A_125, %get3A_130 : vector<16xf32>
        %add3A_184 = arith.addf %get3A_135, %get3A_140 : vector<16xf32>
        %add3A_185 = arith.addf %get3A_145, %get3A_150 : vector<16xf32>
        %add3A_186 = arith.addf %get3A_155, %get3A_160 : vector<16xf32>
        %add3A_187 = arith.addf %get3A_165, %get3A_170 : vector<16xf32>
        %add3A_188 = arith.addf %get3A_175, %get3A_180 : vector<16xf32>
        %add3A_189 = arith.addf %add3A_181, %add3A_182 : vector<16xf32>
        %add3A_190 = arith.addf %add3A_183, %add3A_184 : vector<16xf32>
        %add3A_191 = arith.addf %add3A_185, %add3A_186 : vector<16xf32>
        %add3A_192 = arith.addf %add3A_187, %add3A_188 : vector<16xf32>
        %add3A_193 = arith.addf %add3A_189, %add3A_190 : vector<16xf32>
        %add3A_194 = arith.addf %add3A_191, %add3A_192 : vector<16xf32>
        %add3A_195 = arith.addf %add3A_193, %add3A_194 : vector<16xf32>
        %get3A_196 = arith.index_cast %mul3A_101 : i32 to index
        %get3A_197 = tpu.vector_load %arg6[%get3A_196] {strides = array<i32>} : memref<2048xf32, #tpu.memory_space<vmem>>, vector<16xf32>,
        %get3A_198 = vector.shape_cast %get3A_197 : vector<16xf32> to vector<16xf32>
        %add3A_199 = arith.addf %get3A_198, %add3A_195 : vector<16xf32>
        %swap3A = arith.index_cast %mul3A_101 : i32 to index
        %swap3A_200 = tpu.vector_load %arg6[%swap3A] {strides = array<i32>} : memref<2048xf32, #tpu.memory_space<vmem>>, vector<16xf32>,
        %swap3A_201 = vector.shape_cast %swap3A_200 : vector<16xf32> to vector<16xf32>
        %swap3A_202 = vector.shape_cast %add3A_199 : vector<16xf32> to vector<16xf32>
        tpu.vector_store %arg6[%swap3A], %swap3A_202 {strides = array<i32>} : memref<2048xf32, #tpu.memory_space<vmem>>, vector<16xf32>,
        %mul3A_203 = arith.constant 2 : i32
        %mul3A_204 = arith.muli %scan3A_94, %mul3A_203 : i32
        %add3A_205 = arith.constant 1 : i32
        %add3A_206 = arith.addi %mul3A_204, %add3A_205 : i32
        %mul3A_207 = arith.constant 16 : i32
        %mul3A_208 = arith.muli %add3A_206, %mul3A_207 : i32
        %get3A_209 = arith.constant 0 : i32
        %get3A_210 = arith.index_cast %get3A_209 : i32 to index
        %get3A_211 = arith.index_cast %mul3A_208 : i32 to index
        %get3A_212 = tpu.vector_load %arg5[%get3A_210, %get3A_211] {strides = array<i32>} : memref<16x2048xf32, #tpu.memory_space<vmem>>, vector<1x16xf32>,
        %get3A_213 = vector.shape_cast %get3A_212 : vector<1x16xf32> to vector<16xf32>
        %get3A_214 = arith.constant 1 : i32
        %get3A_215 = arith.index_cast %get3A_214 : i32 to index
        %get3A_216 = arith.index_cast %mul3A_208 : i32 to index
        %get3A_217 = tpu.vector_load %arg5[%get3A_215, %get3A_216] {strides = array<i32>} : memref<16x2048xf32, #tpu.memory_space<vmem>>, vector<1x16xf32>,
        %get3A_218 = vector.shape_cast %get3A_217 : vector<1x16xf32> to vector<16xf32>
        %get3A_219 = arith.constant 2 : i32
        %get3A_220 = arith.index_cast %get3A_219 : i32 to index
        %get3A_221 = arith.index_cast %mul3A_208 : i32 to index
        %get3A_222 = tpu.vector_load %arg5[%get3A_220, %get3A_221] {strides = array<i32>} : memref<16x2048xf32, #tpu.memory_space<vmem>>, vector<1x16xf32>,
        %get3A_223 = vector.shape_cast %get3A_222 : vector<1x16xf32> to vector<16xf32>
        %get3A_224 = arith.constant 3 : i32
        %get3A_225 = arith.index_cast %get3A_224 : i32 to index
        %get3A_226 = arith.index_cast %mul3A_208 : i32 to index
        %get3A_227 = tpu.vector_load %arg5[%get3A_225, %get3A_226] {strides = array<i32>} : memref<16x2048xf32, #tpu.memory_space<vmem>>, vector<1x16xf32>,
        %get3A_228 = vector.shape_cast %get3A_227 : vector<1x16xf32> to vector<16xf32>
        %get3A_229 = arith.constant 4 : i32
        %get3A_230 = arith.index_cast %get3A_229 : i32 to index
        %get3A_231 = arith.index_cast %mul3A_208 : i32 to index
        %get3A_232 = tpu.vector_load %arg5[%get3A_230, %get3A_231] {strides = array<i32>} : memref<16x2048xf32, #tpu.memory_space<vmem>>, vector<1x16xf32>,
        %get3A_233 = vector.shape_cast %get3A_232 : vector<1x16xf32> to vector<16xf32>
        %get3A_234 = arith.constant 5 : i32
        %get3A_235 = arith.index_cast %get3A_234 : i32 to index
        %get3A_236 = arith.index_cast %mul3A_208 : i32 to index
        %get3A_237 = tpu.vector_load %arg5[%get3A_235, %get3A_236] {strides = array<i32>} : memref<16x2048xf32, #tpu.memory_space<vmem>>, vector<1x16xf32>,
        %get3A_238 = vector.shape_cast %get3A_237 : vector<1x16xf32> to vector<16xf32>
        %get3A_239 = arith.constant 6 : i32
        %get3A_240 = arith.index_cast %get3A_239 : i32 to index
        %get3A_241 = arith.index_cast %mul3A_208 : i32 to index
        %get3A_242 = tpu.vector_load %arg5[%get3A_240, %get3A_241] {strides = array<i32>} : memref<16x2048xf32, #tpu.memory_space<vmem>>, vector<1x16xf32>,
        %get3A_243 = vector.shape_cast %get3A_242 : vector<1x16xf32> to vector<16xf32>
        %get3A_244 = arith.constant 7 : i32
        %get3A_245 = arith.index_cast %get3A_244 : i32 to index
        %get3A_246 = arith.index_cast %mul3A_208 : i32 to index
        %get3A_247 = tpu.vector_load %arg5[%get3A_245, %get3A_246] {strides = array<i32>} : memref<16x2048xf32, #tpu.memory_space<vmem>>, vector<1x16xf32>,
        %get3A_248 = vector.shape_cast %get3A_247 : vector<1x16xf32> to vector<16xf32>
        %get3A_249 = arith.constant 8 : i32
        %get3A_250 = arith.index_cast %get3A_249 : i32 to index
        %get3A_251 = arith.index_cast %mul3A_208 : i32 to index
        %get3A_252 = tpu.vector_load %arg5[%get3A_250, %get3A_251] {strides = array<i32>} : memref<16x2048xf32, #tpu.memory_space<vmem>>, vector<1x16xf32>,
        %get3A_253 = vector.shape_cast %get3A_252 : vector<1x16xf32> to vector<16xf32>
        %get3A_254 = arith.constant 9 : i32
        %get3A_255 = arith.index_cast %get3A_254 : i32 to index
        %get3A_256 = arith.index_cast %mul3A_208 : i32 to index
        %get3A_257 = tpu.vector_load %arg5[%get3A_255, %get3A_256] {strides = array<i32>} : memref<16x2048xf32, #tpu.memory_space<vmem>>, vector<1x16xf32>,
        %get3A_258 = vector.shape_cast %get3A_257 : vector<1x16xf32> to vector<16xf32>
        %get3A_259 = arith.constant 10 : i32
        %get3A_260 = arith.index_cast %get3A_259 : i32 to index
        %get3A_261 = arith.index_cast %mul3A_208 : i32 to index
        %get3A_262 = tpu.vector_load %arg5[%get3A_260, %get3A_261] {strides = array<i32>} : memref<16x2048xf32, #tpu.memory_space<vmem>>, vector<1x16xf32>,
        %get3A_263 = vector.shape_cast %get3A_262 : vector<1x16xf32> to vector<16xf32>
        %get3A_264 = arith.constant 11 : i32
        %get3A_265 = arith.index_cast %get3A_264 : i32 to index
        %get3A_266 = arith.index_cast %mul3A_208 : i32 to index
        %get3A_267 = tpu.vector_load %arg5[%get3A_265, %get3A_266] {strides = array<i32>} : memref<16x2048xf32, #tpu.memory_space<vmem>>, vector<1x16xf32>,
        %get3A_268 = vector.shape_cast %get3A_267 : vector<1x16xf32> to vector<16xf32>
        %get3A_269 = arith.constant 12 : i32
        %get3A_270 = arith.index_cast %get3A_269 : i32 to index
        %get3A_271 = arith.index_cast %mul3A_208 : i32 to index
        %get3A_272 = tpu.vector_load %arg5[%get3A_270, %get3A_271] {strides = array<i32>} : memref<16x2048xf32, #tpu.memory_space<vmem>>, vector<1x16xf32>,
        %get3A_273 = vector.shape_cast %get3A_272 : vector<1x16xf32> to vector<16xf32>
        %get3A_274 = arith.constant 13 : i32
        %get3A_275 = arith.index_cast %get3A_274 : i32 to index
        %get3A_276 = arith.index_cast %mul3A_208 : i32 to index
        %get3A_277 = tpu.vector_load %arg5[%get3A_275, %get3A_276] {strides = array<i32>} : memref<16x2048xf32, #tpu.memory_space<vmem>>, vector<1x16xf32>,
        %get3A_278 = vector.shape_cast %get3A_277 : vector<1x16xf32> to vector<16xf32>
        %get3A_279 = arith.constant 14 : i32
        %get3A_280 = arith.index_cast %get3A_279 : i32 to index
        %get3A_281 = arith.index_cast %mul3A_208 : i32 to index
        %get3A_282 = tpu.vector_load %arg5[%get3A_280, %get3A_281] {strides = array<i32>} : memref<16x2048xf32, #tpu.memory_space<vmem>>, vector<1x16xf32>,
        %get3A_283 = vector.shape_cast %get3A_282 : vector<1x16xf32> to vector<16xf32>
        %get3A_284 = arith.constant 15 : i32
        %get3A_285 = arith.index_cast %get3A_284 : i32 to index
        %get3A_286 = arith.index_cast %mul3A_208 : i32 to index
        %get3A_287 = tpu.vector_load %arg5[%get3A_285, %get3A_286] {strides = array<i32>} : memref<16x2048xf32, #tpu.memory_space<vmem>>, vector<1x16xf32>,
        %get3A_288 = vector.shape_cast %get3A_287 : vector<1x16xf32> to vector<16xf32>
        %add3A_289 = arith.addf %get3A_213, %get3A_218 : vector<16xf32>
        %add3A_290 = arith.addf %get3A_223, %get3A_228 : vector<16xf32>
        %add3A_291 = arith.addf %get3A_233, %get3A_238 : vector<16xf32>
        %add3A_292 = arith.addf %get3A_243, %get3A_248 : vector<16xf32>
        %add3A_293 = arith.addf %get3A_253, %get3A_258 : vector<16xf32>
        %add3A_294 = arith.addf %get3A_263, %get3A_268 : vector<16xf32>
        %add3A_295 = arith.addf %get3A_273, %get3A_278 : vector<16xf32>
        %add3A_296 = arith.addf %get3A_283, %get3A_288 : vector<16xf32>
        %add3A_297 = arith.addf %add3A_289, %add3A_290 : vector<16xf32>
        %add3A_298 = arith.addf %add3A_291, %add3A_292 : vector<16xf32>
        %add3A_299 = arith.addf %add3A_293, %add3A_294 : vector<16xf32>
        %add3A_300 = arith.addf %add3A_295, %add3A_296 : vector<16xf32>
        %add3A_301 = arith.addf %add3A_297, %add3A_298 : vector<16xf32>
        %add3A_302 = arith.addf %add3A_299, %add3A_300 : vector<16xf32>
        %add3A_303 = arith.addf %add3A_301, %add3A_302 : vector<16xf32>
        %get3A_304 = arith.index_cast %mul3A_208 : i32 to index
        %get3A_305 = tpu.vector_load %arg6[%get3A_304] {strides = array<i32>} : memref<2048xf32, #tpu.memory_space<vmem>>, vector<16xf32>,
        %get3A_306 = vector.shape_cast %get3A_305 : vector<16xf32> to vector<16xf32>
        %add3A_307 = arith.addf %get3A_306, %add3A_303 : vector<16xf32>
        %swap3A_308 = arith.index_cast %mul3A_208 : i32 to index
        %swap3A_309 = tpu.vector_load %arg6[%swap3A_308] {strides = array<i32>} : memref<2048xf32, #tpu.memory_space<vmem>>, vector<16xf32>,
        %swap3A_310 = vector.shape_cast %swap3A_309 : vector<16xf32> to vector<16xf32>
        %swap3A_311 = vector.shape_cast %add3A_307 : vector<16xf32> to vector<16xf32>
        tpu.vector_store %arg6[%swap3A_308], %swap3A_311 {strides = array<i32>} : memref<2048xf32, #tpu.memory_space<vmem>>, vector<16xf32>,
        %scan3A_312 = arith.constant 0 : i32
        scf.yield %scan3A_312 : i32
      }
      %scan3A_92 = arith.constant 64 : i32
      %scan3A_93 = arith.constant 0 : i32
      scf.yield %scan3A_93 : i32
    }
    %scan3A_55 = arith.constant 4 : i32
    "tpu.region"() ({
      %run_scoped3A = tpu.sem_alloc : memref<!tpu.dma_semaphore, #tpu.memory_space<semaphore_mem>>
      %dma_start3A_56 = arith.constant 0 : i32
      %dma_start3A_57 = tpu.memref_slice %arg3[%add3A, %dma_start3A_56] : memref<32x2048xf32, #tpu.memory_space<hbm>> -> memref<1x2048xf32, #tpu.memory_space<hbm>>
      %dma_start3A_58 = tpu.memref_squeeze %dma_start3A_57 : memref<1x2048xf32, #tpu.memory_space<hbm>> -> memref<2048xf32, #tpu.memory_space<hbm>>
      %dma_start3A_59 = arith.constant 0 : i32
      %dma_start3A_60 = tpu.memref_slice %arg3[%add3A, %dma_start3A_59] : memref<32x2048xf32, #tpu.memory_space<hbm>> -> memref<1x2048xf32, #tpu.memory_space<hbm>>
      %dma_start3A_61 = tpu.memref_squeeze %dma_start3A_60 : memref<1x2048xf32, #tpu.memory_space<hbm>> -> memref<2048xf32, #tpu.memory_space<hbm>>
      tpu.enqueue_dma source(%arg6 : memref<2048xf32, #tpu.memory_space<vmem>>) target(%dma_start3A_61 : memref<2048xf32, #tpu.memory_space<hbm>>) target_semaphore(%run_scoped3A : memref<!tpu.dma_semaphore, #tpu.memory_space<semaphore_mem>>)
      %dma_wait3A = arith.constant 0 : i32
      %dma_wait3A_62 = tpu.memref_slice %arg3[%add3A, %dma_wait3A] : memref<32x2048xf32, #tpu.memory_space<hbm>> -> memref<1x2048xf32, #tpu.memory_space<hbm>>
      %dma_wait3A_63 = tpu.memref_squeeze %dma_wait3A_62 : memref<1x2048xf32, #tpu.memory_space<hbm>> -> memref<2048xf32, #tpu.memory_space<hbm>>
      %dma_wait3A_64 = arith.constant 0 : i32
      %dma_wait3A_65 = tpu.memref_slice %arg3[%add3A, %dma_wait3A_64] : memref<32x2048xf32, #tpu.memory_space<hbm>> -> memref<1x2048xf32, #tpu.memory_space<hbm>>
      %dma_wait3A_66 = tpu.memref_squeeze %dma_wait3A_65 : memref<1x2048xf32, #tpu.memory_space<hbm>> -> memref<2048xf32, #tpu.memory_space<hbm>>
      tpu.wait_dma2 semaphore(%run_scoped3A : memref<!tpu.dma_semaphore, #tpu.memory_space<semaphore_mem>>) src(%arg6 : memref<2048xf32, #tpu.memory_space<vmem>>) dst(%dma_wait3A_66 : memref<2048xf32, #tpu.memory_space<hbm>>)
      tpu.yield
    }) : () -> ()
    return
  }
}

module attributes {stable_mosaic.version = 14 : i64} {
  func.func @_tc_pool_body2(%arg0: i32, %arg1: i32, %arg2: memref<1x1024x2048xf32, #tpu.memory_space<vmem>>, %arg3: memref<1x8x2048xf32, #tpu.memory_space<vmem>>) attributes {dimension_semantics = [#tpu.dimension_semantics<arbitrary>, #tpu.dimension_semantics<arbitrary>], iteration_bounds = array<i64: 4, 7>, scalar_prefetch = 0 : i64, scratch_operands = 0 : i64, tpu.core_type = #tpu.core_type<tc>, window_params = [{transform_indices = @transform_0, window_bounds = array<i64: 1, 1024, 2048>}, {transform_indices = @transform_1, window_bounds = array<i64: 1, 8, 2048>}]} {
    %eq3A = arith.constant 0 : i32
    %eq3A_0 = arith.cmpi eq, %arg1, %eq3A : i32
    %convert_element_type3A = arith.extui %eq3A_0 : i1 to i32
    %cond3A = arith.constant 0 : i32
    %cond3A_1 = arith.cmpi ne, %convert_element_type3A, %cond3A : i32
    scf.if %cond3A_1 {
      %broadcast_in_dim3A_14 = arith.constant 0.000000e+00 : f32
      %broadcast_in_dim3A_15 = vector.broadcast %broadcast_in_dim3A_14 : f32 to vector<1x8x2048xf32>
      %swap3A_16 = arith.constant 0 : index
      %swap3A_17 = arith.constant 0 : index
      %swap3A_18 = arith.constant 0 : index
      %swap3A_19 = vector.load %arg3[%swap3A_16, %swap3A_17, %swap3A_18] : memref<1x8x2048xf32, #tpu.memory_space<vmem>>, vector<1x8x2048xf32>
      tpu.vector_store %arg3[%swap3A_16, %swap3A_17, %swap3A_18], %broadcast_in_dim3A_15 {strides = array<i32>} : memref<1x8x2048xf32, #tpu.memory_space<vmem>>, vector<1x8x2048xf32>,
    } else {
    }
    %get3A = arith.constant 0 : index
    %get3A_2 = arith.constant 0 : index
    %get3A_3 = arith.constant 0 : index
    %get3A_4 = vector.load %arg3[%get3A, %get3A_2, %get3A_3] : memref<1x8x2048xf32, #tpu.memory_space<vmem>>, vector<1x8x2048xf32>
    %get3A_5 = arith.constant 0 : index
    %get3A_6 = arith.constant 0 : index
    %get3A_7 = arith.constant 0 : index
    %get3A_8 = vector.load %arg2[%get3A_5, %get3A_6, %get3A_7] : memref<1x1024x2048xf32, #tpu.memory_space<vmem>>, vector<1x1024x2048xf32>
    %reduce_sum3A = arith.constant dense<0.000000e+00> : vector<1x2048xf32>
    %reduce_sum3A_9 = vector.multi_reduction <add>, %get3A_8, %reduce_sum3A [1] : vector<1x1024x2048xf32> to vector<1x2048xf32>
    %broadcast_in_dim3A = vector.shape_cast %reduce_sum3A_9 : vector<1x2048xf32> to vector<1x1x2048xf32>
    %add3A = vector.broadcast %broadcast_in_dim3A : vector<1x1x2048xf32> to vector<1x8x2048xf32>
    %add3A_10 = arith.addf %get3A_4, %add3A : vector<1x8x2048xf32>
    %swap3A = arith.constant 0 : index
    %swap3A_11 = arith.constant 0 : index
    %swap3A_12 = arith.constant 0 : index
    %swap3A_13 = vector.load %arg3[%swap3A, %swap3A_11, %swap3A_12] : memref<1x8x2048xf32, #tpu.memory_space<vmem>>, vector<1x8x2048xf32>
    tpu.vector_store %arg3[%swap3A, %swap3A_11, %swap3A_12], %add3A_10 {strides = array<i32>} : memref<1x8x2048xf32, #tpu.memory_space<vmem>>, vector<1x8x2048xf32>,
    return
  }
  func.func @transform_0(%arg0: i32, %arg1: i32) -> (i32, i32, i32) {
    %c0_i32 = arith.constant 0 : i32
    %c0_i32_0 = arith.constant 0 : i32
    return %arg0, %arg1, %c0_i32 : i32, i32, i32
  }
  func.func @transform_1(%arg0: i32, %arg1: i32) -> (i32, i32, i32) {
    %c0_i32 = arith.constant 0 : i32
    %c0_i32_0 = arith.constant 0 : i32
    %c0_i32_1 = arith.constant 0 : i32
    return %arg0, %c0_i32, %c0_i32_0 : i32, i32, i32
  }
}

module attributes {stable_mosaic.version = 14 : i64} {
  func.func @_gate_body(%arg0: memref<1x1xi32, #tpu.memory_space<smem>>, %arg1: memref<4x8x2048xf32, #tpu.memory_space<vmem>>, %arg2: memref<4x8x2048xf32, #tpu.memory_space<vmem>>, %arg3: memref<16x2048x16xf32, #tpu.memory_space<vmem>>, %arg4: memref<16x16xf32, #tpu.memory_space<vmem>>, %arg5: memref<1x1xf32, #tpu.memory_space<vmem>>, %arg6: memref<1x1xi32, #tpu.memory_space<vmem>>) attributes {dimension_semantics = [], scalar_prefetch = 0 : i64, scratch_operands = 0 : i64, tpu.core_type = #tpu.core_type<tc>} {
    %get3A = arith.constant 0 : index
    %get3A_0 = arith.constant 0 : index
    %get3A_1 = memref.load %arg0[%get3A, %get3A_0] : memref<1x1xi32, #tpu.memory_space<smem>>
    %get3A_2 = arith.constant 0 : index
    %get3A_3 = arith.constant 0 : index
    %get3A_4 = arith.constant 0 : index
    %get3A_5 = vector.load %arg1[%get3A_2, %get3A_3, %get3A_4] : memref<4x8x2048xf32, #tpu.memory_space<vmem>>, vector<4x8x2048xf32>
    %reduce_sum3A = arith.constant dense<0.000000e+00> : vector<4x2048xf32>
    %reduce_sum3A_6 = vector.multi_reduction <add>, %get3A_5, %reduce_sum3A [1] : vector<4x8x2048xf32> to vector<4x2048xf32>
    %get3A_7 = arith.constant 0 : index
    %get3A_8 = arith.constant 0 : index
    %get3A_9 = arith.constant 0 : index
    %get3A_10 = vector.load %arg2[%get3A_7, %get3A_8, %get3A_9] : memref<4x8x2048xf32, #tpu.memory_space<vmem>>, vector<4x1x2048xf32>
    %get3A_11 = vector.shape_cast %get3A_10 : vector<4x1x2048xf32> to vector<4x2048xf32>
    %add3A = arith.addf %reduce_sum3A_6, %get3A_11 : vector<4x2048xf32>
    %mul3A = arith.constant 1.22070313E-4 : f32
    %mul3A_12 = vector.broadcast %mul3A : f32 to vector<4x2048xf32>
    %mul3A_13 = arith.mulf %add3A, %mul3A_12 : vector<4x2048xf32>
    %get3A_14 = arith.index_cast %get3A_1 : i32 to index
    %get3A_15 = arith.constant 0 : index
    %get3A_16 = arith.constant 0 : index
    %get3A_17 = vector.load %arg3[%get3A_14, %get3A_15, %get3A_16] : memref<16x2048x16xf32, #tpu.memory_space<vmem>>, vector<1x2048x16xf32>
    %get3A_18 = vector.shape_cast %get3A_17 : vector<1x2048x16xf32> to vector<2048x16xf32>
    %dot_general3A = arith.constant dense<0.000000e+00> : vector<4x16xf32>
    %dot_general3A_19 = tpu.matmul %mul3A_13, %get3A_18, %dot_general3A {dimension_numbers = #tpu.dot_dimension_numbers<[1], [0], [0], [1], [0, 0, 1, 1], [], []>, transpose_lhs_hint = false} : vector<4x2048xf32>, vector<2048x16xf32>, vector<4x16xf32> -> vector<4x16xf32>
    %get3A_20 = arith.index_cast %get3A_1 : i32 to index
    %get3A_21 = arith.constant 0 : index
    %get3A_22 = vector.load %arg4[%get3A_20, %get3A_21] : memref<16x16xf32, #tpu.memory_space<vmem>>, vector<1x16xf32>
    %add3A_23 = vector.broadcast %get3A_22 : vector<1x16xf32> to vector<4x16xf32>
    %add3A_24 = arith.addf %dot_general3A_19, %add3A_23 : vector<4x16xf32>
    %reduce_max3A = arith.constant dense<0xFF800000> : vector<4xf32>
    %reduce_max3A_25 = vector.multi_reduction <maximumf>, %add3A_24, %reduce_max3A [1] : vector<4x16xf32> to vector<4xf32>
    %broadcast_in_dim3A = vector.shape_cast %reduce_max3A_25 : vector<4xf32> to vector<4x1xf32>
    %sub3A = vector.broadcast %broadcast_in_dim3A : vector<4x1xf32> to vector<4x16xf32>
    %sub3A_26 = arith.subf %add3A_24, %sub3A : vector<4x16xf32>
    %exp3A = math.exp %sub3A_26 : vector<4x16xf32>
    %reduce_sum3A_27 = arith.constant dense<0.000000e+00> : vector<4xf32>
    %reduce_sum3A_28 = vector.multi_reduction <add>, %exp3A, %reduce_sum3A_27 [1] : vector<4x16xf32> to vector<4xf32>
    %broadcast_in_dim3A_29 = vector.shape_cast %reduce_sum3A_28 : vector<4xf32> to vector<4x1xf32>
    %div3A = vector.broadcast %broadcast_in_dim3A_29 : vector<4x1xf32> to vector<4x16xf32>
    %div3A_30 = arith.divf %exp3A, %div3A : vector<4x16xf32>
    %add3A_31 = arith.constant 1.000000e-10 : f32
    %add3A_32 = vector.broadcast %add3A_31 : f32 to vector<4x16xf32>
    %add3A_33 = arith.addf %div3A_30, %add3A_32 : vector<4x16xf32>
    %log3A = math.log %add3A_33 : vector<4x16xf32>
    %mul3A_34 = arith.mulf %div3A_30, %log3A : vector<4x16xf32>
    %reduce_sum3A_35 = vector.shape_cast %mul3A_34 : vector<4x16xf32> to vector<1x4x16xf32>
    %reduce_sum3A_36 = arith.constant dense<0.000000e+00> : vector<1xf32>
    %reduce_sum3A_37 = vector.multi_reduction <add>, %reduce_sum3A_35, %reduce_sum3A_36 [1, 2] : vector<1x4x16xf32> to vector<1xf32>
    %reduce_sum3A_38 = vector.shape_cast %reduce_sum3A_37 : vector<1xf32> to vector<1x1x1xf32>
    %reduce_sum3A_39 = vector.extract %reduce_sum3A_38[0, 0, 0] : f32 from vector<1x1x1xf32>
    %neg3A = arith.constant 0.000000e+00 : f32
    %neg3A_40 = arith.subf %neg3A, %reduce_sum3A_39 : f32
    %mul3A_41 = arith.constant 2.500000e-01 : f32
    %mul3A_42 = arith.mulf %neg3A_40, %mul3A_41 : f32
    %mul3A_43 = arith.constant -0.00999999977 : f32
    %mul3A_44 = arith.mulf %mul3A_43, %mul3A_42 : f32
    %reshape3A = vector.broadcast %mul3A_44 : f32 to vector<1x1xf32>
    %swap3A = arith.constant 0 : index
    %swap3A_45 = arith.constant 0 : index
    %swap3A_46 = vector.load %arg5[%swap3A, %swap3A_45] : memref<1x1xf32, #tpu.memory_space<vmem>>, vector<1x1xf32>
    tpu.vector_store %arg5[%swap3A, %swap3A_45], %reshape3A {strides = array<i32>} : memref<1x1xf32, #tpu.memory_space<vmem>>, vector<1x1xf32>,
    %slice3A = vector.extract_strided_slice %div3A_30 {offsets = [0, 0], sizes = [1, 16], strides = [1, 1]} : vector<4x16xf32> to vector<1x16xf32>
    %iota3A = tpu.iota {dimensions = array<i32: 1>} : vector<1x16xi32>
    %reduce_max3A_47 = vector.shape_cast %slice3A : vector<1x16xf32> to vector<1x1x16xf32>
    %reduce_max3A_48 = arith.constant dense<0xFF800000> : vector<1xf32>
    %reduce_max3A_49 = vector.multi_reduction <maximumf>, %reduce_max3A_47, %reduce_max3A_48 [1, 2] : vector<1x1x16xf32> to vector<1xf32>
    %reduce_max3A_50 = vector.shape_cast %reduce_max3A_49 : vector<1xf32> to vector<1x1x1xf32>
    %reduce_max3A_51 = vector.extract %reduce_max3A_50[0, 0, 0] : f32 from vector<1x1x1xf32>
    %eq3A = vector.broadcast %reduce_max3A_51 : f32 to vector<1x16xf32>
    %eq3A_52 = arith.cmpf oeq, %slice3A, %eq3A : vector<1x16xf32>
    %jit3A = arith.constant 16 : i32
    %broadcast_in_dim3A_53 = vector.broadcast %jit3A : i32 to vector<1x16xi32>
    %select_n3A = arith.select %eq3A_52, %iota3A, %broadcast_in_dim3A_53 : vector<1x16xi1>, vector<1x16xi32>
    %reduce_min3A = vector.shape_cast %select_n3A : vector<1x16xi32> to vector<1x1x16xi32>
    %reduce_min3A_54 = arith.constant dense<2147483647> : vector<1xi32>
    %reduce_min3A_55 = vector.multi_reduction <minsi>, %reduce_min3A, %reduce_min3A_54 [1, 2] : vector<1x1x16xi32> to vector<1xi32>
    %reduce_min3A_56 = vector.shape_cast %reduce_min3A_55 : vector<1xi32> to vector<1x1x1xi32>
    %reduce_min3A_57 = vector.extract %reduce_min3A_56[0, 0, 0] : i32 from vector<1x1x1xi32>
    %reshape3A_58 = vector.broadcast %reduce_min3A_57 : i32 to vector<1x1xi32>
    %swap3A_59 = arith.constant 0 : index
    %swap3A_60 = arith.constant 0 : index
    %swap3A_61 = vector.load %arg6[%swap3A_59, %swap3A_60] : memref<1x1xi32, #tpu.memory_space<vmem>>, vector<1x1xi32>
    tpu.vector_store %arg6[%swap3A_59, %swap3A_60], %reshape3A_58 {strides = array<i32>} : memref<1x1xi32, #tpu.memory_space<vmem>>, vector<1x1xi32>,
    return
  }
}

</mosaic_0001>

<sc_bundles>
// kernel: kernel.5.cloned.1.call-start
scs
__scs_entry_jumppad:
0x0: {  	(pc) =	sbr.rel $0x88, $3  }
0x1: {  	(tag) =	ssettag $0x0;
	lr =	simm.s32 $0x1  }
0x2: {  	[smem:$0x3F9D] =	sst lr;
	_ =	strace $0xD0000000  }
0x3: {  	_ = 	snop  }
0x4: {  	_ = 	snop  }
0x5: {  	_ = 	snop  }
0x6: {  	_ = 	snop  }
0x7: {  	_ = 	snop  }
__scs_overlays_trampoline_lowered:
0x8: {  	[smem:$0x3FAC] =	sst s0  }
0x9: {  	[smem:$0x3FAD] =	sst s1  }
0xa: {  	[smem:$0x3FAE] =	sst s2  }
0xb: {  	[smem:$0x3FAF] =	sst s3  }
0xc: {  	[smem:$0x3FB0] =	sst s4  }
0xd: {  	[smem:$0x3FB1] =	sst s5  }
0xe: {  	[smem:$0x3FB2] =	sst s6  }
0xf: {  	[smem:$0x3FB3] =	sst s7  }
0x10: {  	[smem:$0x3FB4] =	sst s8  }
0x11: {  	[smem:$0x3FB5] =	sst s9;
	s0 =	simm.s32 @!p0 $0x0  }
0x12: {  	s1 =	sld [smem:$0x3F9B];
	s0 =	simm.s32 @p0 $0x1  }
0x13: {  	[smem:$0x3FB6] =	sst s0;
	s0 =	simm.s32 @!p1 $0x0  }
0x14: {  	s2 =	sld [smem:$0x3F9A];
	s0 =	simm.s32 @p1 $0x1  }
0x15: {  	[smem:$0x3FB7] =	sst s0;
	s0 =	simm.s32 @!p2 $0x0  }
0x16: {  	s3 =	sld [smem:$0x3FDB];
	s0 =	simm.s32 @p2 $0x1  }
0x17: {  	s4 =	simm.s32 $0x1BF5;
	[smem:$0x3FB9] =	sst s0  }
0x18: {  	s0 =	sld [smem:$0x3F9C];
	_ =	swait.ge [sflag:s4], $0x0  }
0x19: {  	s7 =	sld [smem:$0x3F9D]  }
0x1a: {  	s8 =	sadd.s32 $0xFFFFE003, lr  }
0x1b: {  	s9 =	sadd.s32 $0xFFFFFEF7, lr;
	s5 =	simm.s32 $0xFFFFFFFF;
	p2 =	slt.u32 s8, $0xFFFFF086  }
0x1c: {  	p1 =	slt.u32 s9, $0xF7A;
	s5 =	simm.s32 @!p2 $0x0  }
0x1d: {  	s5 =	simm.s32 @p1 $0x1;
	p0 =	seq.s32 s7, s2  }
0x1e: {  	s7 =	smul.u32 @!p0 $0xF7A, s2;
	p2 =	seq.s32 @!p0 s5, $0x0  }
0x1f: {  	s9 =	smul.u32 $0xF7A, s1;
	s8 =	simm.s32 @!p0 $0x1BF5;
	p2 =	por !p2, p0  }
0x20: {  	[sflag:s8] =	ssyncset.s32 @!p0 $0xFFFFF086;
	s6 =	sadd.s32 @!p0 s3, s7;
	s7 =	simm.s32 @!p0 $0x108  }
0x21: {  	s3 =	sadd.s32 s3, s9;
	s6 =	sadd.s32 @!p0 $0x88, s6;
	s7 =	simm.s32 @p2 $0x1082  }
0x22: {  	[simem:s7], [sflag:s8] =	dma.local @!p0 [hbm:s6], $0xF7A  }
0x23: {  	s9 =	sor.u32 $0xD0000000, s2;
	s6 =	simm.s32 $0x108;
	_ =	swait.ge @!p0 [sflag:s8], $0x0  }
0x24: {  	s3 =	sadd.s32 $0x88, s3;
	s6 =	simm.s32 @!p1 $0x1082;
	[sflag:s4] =	ssyncset.s32 $0xFFFFF086  }
0x25: {  	[simem:s6], [sflag:s4] =	dma.local [hbm:s3], $0xF7A  }
0x26: {  	[smem:$0x3F9D] =	sst s1;
	(tag) =	ssettag s2;
	_ =	strace s9  }
0x27: {  	s1 =	sld [smem:$0x3FAD]  }
0x28: {  	s2 =	sld [smem:$0x3FAE]  }
0x29: {  	s4 =	sld [smem:$0x3FB0]  }
0x2a: {  	p0 =	seq.s32 s5, $0x0;
	s5 =	sld [smem:$0x3FB1]  }
0x2b: {  	s6 =	sld [smem:$0x3FB2]  }
0x2c: {  	s7 =	sld [smem:$0x3FB3]  }
0x2d: {  	s3 =	simm.s32 $0x108;
	s8 =	sld [smem:$0x3FB4]  }
0x2e: {  	s3 =	simm.s32 @!p0 $0x1082;
	s9 =	sld [smem:$0x3FB5]  }
0x2f: {  	lr =	sadd.s32 s0, s3;
	s0 =	sld [smem:$0x3FAC]  }
0x30: {  	s3 =	sld [smem:$0x3FAF]  }
0x31: {  	[smem:$0x3FB8] =	sst s10  }
0x32: {  	s10 =	sld [smem:$0x3FB6];
	_ =	sdelay $0x3  }
0x33: {  	p0 =	seq.s32 s10, $0x1;
	s10 =	sld [smem:$0x3FB8];
	_ =	sdelay $0x3  }
0x34: {  	[smem:$0x3FB8] =	sst s10  }
0x35: {  	s10 =	sld [smem:$0x3FB7];
	_ =	sdelay $0x3  }
0x36: {  	p1 =	seq.s32 s10, $0x1;
	s10 =	sld [smem:$0x3FB8];
	_ =	sdelay $0x3  }
0x37: {  	[smem:$0x3FB8] =	sst s10  }
0x38: {  	s10 =	sld [smem:$0x3FB9]  }
0x39: {  	_ = 	snop;
	(pc) =	sbr.ind lr, $3  }
0x3a: {  	_ = 	snop  }
0x3b: {  	_ = 	snop  }
0x3c: {  	p2 =	seq.s32 s10, $0x1;
	s10 =	sld [smem:$0x3FB8]  }
0x3d: {  	_ =	shalt  }
0x3e: {  	_ =	shalt  }
0x3f: {  	_ =	shalt  }
0x40: {  	_ =	shalt  }
0x41: {  	_ =	shalt  }
0x42: {  	_ =	shalt  }
0x43: {  	_ =	shalt  }
0x44: {  	_ =	shalt  }
0x45: {  	_ =	shalt  }
0x46: {  	_ =	shalt  }
0x47: {  	_ =	shalt  }
0x48: {  	_ =	shalt  }
0x49: {  	_ =	shalt  }
0x4a: {  	_ =	shalt  }
0x4b: {  	_ =	shalt  }
0x4c: {  	_ =	shalt  }
0x4d: {  	_ =	shalt  }
0x4e: {  	_ =	shalt  }
0x4f: {  	_ =	shalt  }
0x50: {  	_ =	shalt  }
0x51: {  	_ =	shalt  }
0x52: {  	_ =	shalt  }
0x53: {  	_ =	shalt  }
0x54: {  	_ =	shalt  }
0x55: {  	_ =	shalt  }
0x56: {  	_ =	shalt  }
0x57: {  	_ =	shalt  }
0x58: {  	_ =	shalt  }
0x59: {  	_ =	shalt  }
0x5a: {  	_ =	shalt  }
0x5b: {  	_ =	shalt  }
0x5c: {  	_ =	shalt  }
0x5d: {  	_ =	shalt  }
0x5e: {  	_ =	shalt  }
0x5f: {  	_ =	shalt  }
0x60: {  	_ =	shalt  }
0x61: {  	_ =	shalt  }
0x62: {  	_ =	shalt  }
0x63: {  	_ =	shalt  }
0x64: {  	_ =	shalt  }
0x65: {  	_ =	shalt  }
0x66: {  	_ =	shalt  }
0x67: {  	_ =	shalt  }
0x68: {  	_ =	shalt  }
0x69: {  	_ =	shalt  }
0x6a: {  	_ =	shalt  }
0x6b: {  	_ =	shalt  }
0x6c: {  	_ =	shalt  }
0x6d: {  	_ =	shalt  }
0x6e: {  	_ =	shalt  }
0x6f: {  	_ =	shalt  }
0x70: {  	_ =	shalt  }
0x71: {  	_ =	shalt  }
0x72: {  	_ =	shalt  }
0x73: {  	_ =	shalt  }
0x74: {  	_ =	shalt  }
0x75: {  	_ =	shalt  }
0x76: {  	_ =	shalt  }
0x77: {  	_ =	shalt  }
0x78: {  	_ =	shalt  }
0x79: {  	_ =	shalt  }
0x7a: {  	_ =	shalt  }
0x7b: {  	_ =	shalt  }
0x7c: {  	_ =	shalt  }
0x7d: {  	_ =	shalt  }
0x7e: {  	_ =	shalt  }
0x7f: {  	_ =	shalt  }
0x80: {  	_ =	shalt  }
0x81: {  	_ =	shalt  }
0x82: {  	_ =	shalt  }
0x83: {  	_ =	shalt  }
0x84: {  	_ =	shalt  }
0x85: {  	_ =	shalt  }
0x86: {  	_ =	shalt  }
0x87: {  	_ =	shalt  }
.Lfunc_end0:
.L_simem_size_0:
called_computation_lowered:
.L_overlay_start_0:
0x88: {  	s2 =	sld [smem:$0x3FD9]  }
0x89: {  	s3 =	sld [smem:$0x3FFE];
	_ =	sdelay $0x1  }
0x8a: {  	s1 =	srdreg.scid  }
0x8b: {  	s0 =	sand.u32 $0x1, s1  }
0x8c: {  	s17 =	sshll.u32 s0, $0xA;
	s2 =	sadd.s32 s3, s2  }
0x8d: {  	s2 =	sadd.s32 s2, s17  }
0x8e: {  	[smem:$0x3FC4] =	sst s2  }
0x8f: {  	_ = 	snop  }
0x90: {  	s2 =	sld [smem:$0x3FC9];
	(tm) =	ssettm $0x1  }
0x91: {  	s18 =	sld [smem:$0x3FFB];
	_ =	sdelay $0x3  }
0x92: {  	_ =	strace s18  }
0x93: {  	s3 =	sld [smem:$0x3FFC];
	_ =	sdelay $0x3  }
0x94: {  	_ =	strace s3  }
0x95: {  	s3 =	sld [smem:$0x3FFD];
	_ =	sdelay $0x3  }
0x96: {  	_ =	strace s3  }
0x97: {  	_ =	strace $0x8FFFFFFF  }
0x98: {  	s19 =	sld [smem:$0x3FDB];
	_ =	sdelay $0x1  }
0x99: {  	s4 =	simm.s32 $_scs_section_size  }
0x9a: {  	s5 =	simm.s32 $_size__tile_overlayer_lowered;
	s6 =	simm.s32 $_tile_overlayer_lowered  }
0x9b: {  	s22 =	simm.s32 $0x1BFF;
	s21 =	sshll.u32 s6, $0x1;
	s3 =	sadd.s32 s4, s19  }
0x9c: {  	s7 =	simm.s32 $0x0;
	s20 =	sshll.u32 s5, $0x1;
	s5 =	sadd.s32 s21, s3  }
0x9d: {  	[timem:s7], [sflag:s22] =	dma.local [hbm:s5], s20  }
0x9e: {  	_ =	swait.ge [sflag:s22], s20  }
0x9f: {  	s4 =	ssub.s32 $0x0, s20;
	[sflag:s22] =	ssyncset.done $0x0  }
0xa0: {  	[sflag:s22] =	ssyncadd.s32 s4;
	_ =	sdelay $0x1  }
0xa1: {  	s23 =	simm.s32 $0x1B8B  }
0xa2: {  	_ =	swait.ge [sflag:s23], $0x1  }
0xa3: {  	[sflag:s23] =	ssyncset.done $0x0  }
0xa4: {  	s25 =	simm.s32 $0x1B8E;
	s24 =	sld [smem:$0x3FFE];
	[sflag:s23] =	ssyncadd.s32 $0xFFFFFFFF  }
0xa5: {  	s26 =	simm.s32 $execute0_lowered;
	[smem:$0x3FD2] =	sst s25  }
0xa6: {  	s5 =	sshll.u32 s26, $0x1;
	_ =	strace $0x80000046;
	[dreg:$0x1] =	wrdreg $0xFFFFFFFF  }
0xa7: {  	s28 =	simm.s32 $_size_execute0_lowered;
	s3 =	sadd.s32 s3, s5;
	[dreg:$0x0] =	wrdreg $0x0  }
0xa8: {  	s5 =	sshll.u32 s28, $0x1;
	[dreg:$0x2] =	wrdreg s3  }
0xa9: {  	[dreg:$0x3] =	wrdreg s5  }
0xaa: {  	[dreg:$0x4] =	wrdreg $0xC0  }
0xab: {  	_ =	task [dreg:s7], $0x5FFFF  }
0xac: {  	[dreg:$0x1] =	wrdreg $0xFFFFFFFF  }
0xad: {  	[dreg:$0x0] =	wrdreg $0x60  }
0xae: {  	[dreg:$0x2] =	wrdreg s2  }
0xaf: {  	[dreg:$0x3] =	wrdreg s24  }
0xb0: {  	[dreg:$0x4] =	wrdreg $0x9  }
0xb1: {  	_ =	task.clear_ibuf [dreg:s7], $0x5FFFF;
	_ =	strace $0x90000046  }
0xb2: {  	s29 =	simm.s32 $0x9;
	_ =	strace $0x80000048  }
0xb3: {  	_ =	swait.ge [sflag:s29], $0x1  }
0xb4: {  	[sflag:s29] =	ssyncadd.s32 $0xFFFFFFFF  }
0xb5: {  	_ =	strace $0x90000048  }
0xb6: {  	_ =	sfence  }
0xb7: {  	s30 =	sld [smem:$0x0];
	_ =	sdelay $0x2  }
0xb8: {  	s31 =	sshll.u32 s1, $0xD;
	s1 =	sshrl.u32 s1, $0x2  }
0xb9: {  	s3 =	sand.u32 $0x4000, s31;
	s1 =	sadd.s32 s1, s30  }
0xba: {  	s0 =	sor.u32 s3, s0;
	s1 =	sshll.u32 s1, $0x11  }
0xbb: {  	s0 =	sor.u32 s1, s0  }
0xbc: {  	s0 =	sadd.s32 $0x8F2B, s0  }
0xbd: {  	[sflag:s0] =	ssyncadd.remote.s32 $0x1  }
0xbe: {  	_ =	sfence.sel $0xFFFF  }
0xbf: {  	[dreg:$0x0] =	wrdreg $0xFFFFFFFF;
	(pc) =	sbr.abs _section_cstart, $3  }
0xc0: {  	[dreg:$0x1] =	wrdreg $0xFFFFFFFF  }
0xc1: {  	_ =	task.clear_ibuf [dreg:s7], $0x2FFFF;
	_ =	strace $0x9FFFFFFF  }
0xc2: {  	(tm) =	ssettm $0x7FFFFFFF  }
0xc3: {  	_ =	shalt  }
tec
execute0_lowered:
.L_overlay_start_1:
0x0: {  	(tag) =	ssettag $0x1  }
0x1: {  	s1 =	rddreg [dreg:$0x0]  }
0x2: {  	s0 =	rddreg [dreg:$0x1];
	s8 =	simm.s32 $0x0;
	s2 =	srdreg.scid  }
0x3: {  	s3 =	stileid.u32;
	[smem:$0x7FF] =	sst s8  }
0x4: {  	s2 =	sand.u32 $0x1, s2;
	s4 =	sshll.u32 s3, $0x8;
	s6 =	sshll.u32 s3, $0xC  }
0x5: {  	s26 =	sshll.u32 s3, $0xB;
	s5 =	sshll.u32 s2, $0x7;
	s4 =	sand.u32 $0x300, s4  }
0x6: {  	s25 =	sand.u32 $0xC000, s6;
	s2 =	ssub.s32 $0x2, s2;
	s4 =	sor.u32 s5, s4  }
0x7: {  	_ =	strace $0x80000047;
	s29 =	sshrl.u32 s2, $0x1;
	s6 =	sor.u32 s26, s4  }
0x8: {  	s5 =	sor.u32 s25, s4;
	s2 =	ssub.s32 s2, s29;
	s28 =	sor.u32 $0x1C00, s6  }
0x9: {  	s5 =	sshrl.u32 s5, $0x3;
	s30 =	sor.u32 $0x1C20, s6;
	[dreg:$0x4] =	wrdreg s28  }
0xa: {  	s31 =	smax.u32 s2, $0x1;
	s7 =	sshll.u32 s28, $0x8;
	[dreg:$0x6] =	wrdreg s30  }
0xb: {  	s0 =	sadd.s32 s5, s0;
	[dreg:$0x8] =	wrdreg s31;
	s3 =	sadd.s32 s1, s7  }
0xc: {  	s0 =	sadd.s32 $0xC00, s0;
	[dreg:$0x5] =	wrdreg s3  }
0xd: {  	s11 =	simm.s32 $0x2;
	v0 =	vimm.f32 $0.0e+00;
	s16 =	simm.s32 $0x0;
	[dreg:$0x7] =	wrdreg s0  }
.LBB2_1:
0xe: {  	[dreg:$0x3] =	wrdreg s8;
	s0 =	simm.s32 $0x40;
	s2 =	simm.s32 $0x0  }
.LBB2_2:
0xf: {  	p0 =	sne.s32 s0, $0x1FC0;
	[tilespmem:s2+$0x10000] =	vst v0;
	s2 =	smov.u32 s0;
	s0 =	sadd.s32 $0x40, s0  }
.Ltmp0:
0x10: {  	(pc) =	sbr.rel @p0 .LBB2_2-.Ltmp0, $2  }
0x11: {  	_ =	sdelay $0x2  }
0x12: {  	s2 =	sshra.s32 s2, $0x2  }
0x13: {  	[tilespmem:s2+$0x10000] =	vst v0;
	s0 =	rddreg [dreg:$0x5];
	s17 =	simm.s32 $0x0  }
0x14: {  	[tilespmem:s16], [sflag:$0x1] =	stream.linear.gather [hbm4b:s0+s16], $0x8000, $0x38;
	[tilespmem:$0x10800] =	vst v63  }
.LBB2_4:
0x15: {  	s18 =	sshll.u32 s17, $0x5;
	s0 =	rddreg [dreg:$0x4]  }
0x16: {  	s0 =	sadd.s32 s18, s0  }
0x17: {  	s0 =	sshll.u32 s0, $0x8  }
0x18: {  	s0 =	sadd.s32 s1, s0  }
0x19: {  	s2 =	simm.s32 $0x8000;
	s3 =	simm.s32 $0x1;
	s0 =	sadd.s32 $0x1000, s0  }
0x1a: {  	[tilespmem:s2], [sflag:$0x2] =	stream.linear.gather [hbm4b:s0+s16], $0x8000, $0x38;
	[tilespmem:$0x10800] =	vst v63  }
0x1b: {  	s6 =	sand.u32 $0x3C00, s16;
	_ =	swait.ge [sflag:s3], $0x8000  }
0x1c: {  	s7 =	sand.u32 $0x60, s16;
	s20 =	sor.u32 $0x4000, s6;
	[sflag:s3] =	ssyncset.done $0x0  }
0x1d: {  	s23 =	sor.u32 $0x4380, s6;
	s19 =	sor.u32 s7, s20;
	[sflag:s3] =	ssyncadd.s32 $0xFFFF8000  }
0x1e: {  	s26 =	sor.u32 $0x4080, s6;
	s8 =	sor.u32 s7, s23;
	v1 =	vld [tilespmem:s19+$0x0]  }
0x1f: {  	s12 =	sor.u32 $0x4280, s6;
	s21 =	sor.u32 s7, s26;
	v2 =	vld [tilespmem:s8+$0x0]  }
0x20: {  	s9 =	sor.u32 s7, s12;
	v3 =	vld [tilespmem:s21+$0x0]  }
0x21: {  	s24 =	sor.u32 $0x4100, s6;
	s10 =	sor.u32 s7, s6;
	v4 =	vld [tilespmem:s9+$0x0]  }
0x22: {  	s13 =	sor.u32 s7, s24;
	v5 =	vld [tilespmem:s10+$0x300]  }
0x23: {  	v6 =	vld [tilespmem:s13+$0x0]  }
0x24: {  	v7 =	vld [tilespmem:s10+$0x380]  }
0x25: {  	v8 =	vld [tilespmem:s10+$0x280]  }
0x26: {  	v9 =	vld [tilespmem:s10+$0x180]  }
0x27: {  	s28 =	sor.u32 $0x4180, s6;
	v10 =	vld [tilespmem:s10+$0x200]  }
0x28: {  	s14 =	sor.u32 s7, s28;
	v11 =	vld [tilespmem:s10+$0x100]  }
0x29: {  	v12 =	vld [tilespmem:s14+$0x0]  }
0x2a: {  	s25 =	sor.u32 $0x4300, s6;
	v13 =	vld [tilespmem:s10+$0x80]  }
0x2b: {  	s22 =	sor.u32 s7, s25;
	s13 =	sor.u32 $0x4200, s6;
	v15 =	vld [tilespmem:s10+$0x0]  }
0x2c: {  	v16 =	vld [tilespmem:s22+$0x0];
	s15 =	sor.u32 s7, s13  }
0x2d: {  	v14 =	vld [tilespmem:s15+$0x0];
	_ =	sdelay $0x1  }
0x2e: {  	v1 =	vadd.f32 v3, v1;
	v3 =	vadd.f32 v7, v5  }
0x2f: {  	v60 =	vadd.f32 v8, v10;
	v61 =	vadd.f32 v9, v11  }
0x30: {  	v6 =	vadd.f32 v12, v6;
	v62 =	vadd.f32 v13, v15  }
0x31: {  	v2 =	vadd.f32 v2, v16;
	v4 =	vadd.f32 v4, v14  }
0x32: {  	v7 =	vadd.f32 v61, v62;
	v3 =	vadd.f32 v3, v60  }
0x33: {  	s21 =	simm.s32 $0x10000;
	v1 =	vadd.f32 v6, v1;
	v2 =	vadd.f32 v2, v4  }
0x34: {  	v63 =	vld [tilespmem:s21+$0x0]  }
0x35: {  	v3 =	vadd.f32 v3, v7;
	v1 =	vadd.f32 v2, v1;
	_ =	sdelay $0x1  }
0x36: {  	s19 =	sor.u32 $0x10, s7;
	v1 =	vadd.f32 v1, v3  }
0x37: {  	s22 =	simm.s32 $0x20;
	s30 =	sor.u32 s19, s23  }
0x38: {  	s31 =	sor.u32 s19, s24;
	s2 =	sor.u32 s19, s28;
	s24 =	sor.u32 s19, s6;
	v1 =	vadd.f32 v1, v63  }
0x39: {  	s29 =	sor.u32 s19, s26;
	s26 =	sor.u32 s19, s13;
	s28 =	sor.u32 s19, s20  }
0x3a: {  	s0 =	sor.u32 s19, s12;
	s23 =	simm.s32 $0x0;
	s20 =	simm.s32 $0x0;
	[tilespmem:s21+$0x0] =	vst v1  }
.LBB2_5:
0x3b: {  	p0 =	sne.s32 s22, $0x7E0;
	v1 =	vld [tilespmem:s2+$0x0];
	s23 =	sadd.s32 $0x100, s23;
	s21 =	sadd.s32 $0x20, s21  }
0x3c: {  	s2 =	smov.u32 s22;
	s22 =	sadd.s32 $0x20, s22;
	v2 =	vld [tilespmem:s24+$0x80]  }
0x3d: {  	v3 =	vld [tilespmem:s31+$0x0]  }
0x3e: {  	s12 =	sor.u32 s19, s25;
	v4 =	vld [tilespmem:s30+$0x0]  }
0x3f: {  	v5 =	vld [tilespmem:s12+$0x0]  }
0x40: {  	v6 =	vld [tilespmem:s24+$0x380]  }
0x41: {  	v7 =	vld [tilespmem:s24+$0x300]  }
0x42: {  	v8 =	vld [tilespmem:s24+$0x280];
	v1 =	vadd.f32 v1, v3  }
0x43: {  	v3 =	vld [tilespmem:s24+$0x200]  }
0x44: {  	v9 =	vld [tilespmem:s0+$0x0];
	v4 =	vadd.f32 v4, v5  }
0x45: {  	v5 =	vld [tilespmem:s29+$0x0]  }
0x46: {  	v10 =	vld [tilespmem:s26+$0x0];
	v6 =	vadd.f32 v6, v7  }
0x47: {  	v7 =	vld [tilespmem:s28+$0x0]  }
0x48: {  	v11 =	vld [tilespmem:s24+$0x180];
	v3 =	vadd.f32 v8, v3  }
0x49: {  	v8 =	vld [tilespmem:s24+$0x0]  }
0x4a: {  	v12 =	vld [tilespmem:s24+$0x100]  }
0x4b: {  	v9 =	vadd.f32 v9, v10  }
0x4c: {  	v5 =	vadd.f32 v5, v7  }
0x4d: {  	v4 =	vadd.f32 v4, v9  }
0x4e: {  	v1 =	vadd.f32 v1, v5  }
0x4f: {  	v2 =	vadd.f32 v2, v8;
	v5 =	vadd.f32 v11, v12  }
0x50: {  	s0 =	sand.u32 $0x780, s20;
	s20 =	smov.u32 s2  }
0x51: {  	s0 =	sor.u32 s19, s0;
	v3 =	vadd.f32 v6, v3;
	v2 =	vadd.f32 v5, v2  }
0x52: {  	v5 =	vld [tilespmem:s0+$0x10000]  }
0x53: {  	v1 =	vadd.f32 v4, v1;
	v2 =	vadd.f32 v3, v2;
	_ =	sdelay $0x1  }
0x54: {  	v1 =	vadd.f32 v1, v2;
	_ =	sdelay $0x1  }
0x55: {  	s12 =	sand.u32 $0x3C00, s23;
	s2 =	sand.u32 $0x60, s20;
	v1 =	vadd.f32 v1, v5  }
0x56: {  	s13 =	sor.u32 $0x4000, s12;
	s26 =	sor.u32 $0x4080, s12;
	s19 =	sor.u32 $0x10, s2  }
0x57: {  	s29 =	sor.u32 $0x4380, s12;
	s28 =	sor.u32 $0x4180, s12;
	s24 =	sor.u32 s2, s13;
	[tilespmem:s0+$0x10000] =	vst v1  }
0x58: {  	s14 =	sor.u32 s2, s28;
	s0 =	sor.u32 $0x4280, s12;
	v1 =	vld [tilespmem:s24+$0x0];
	s24 =	sor.u32 s2, s29  }
0x59: {  	s31 =	sor.u32 $0x4100, s12;
	s5 =	sor.u32 $0x4200, s12;
	s25 =	sor.u32 s2, s26;
	v2 =	vld [tilespmem:s24+$0x0]  }
0x5a: {  	s7 =	sor.u32 s2, s5;
	s24 =	sor.u32 s2, s0;
	v3 =	vld [tilespmem:s25+$0x0];
	s25 =	sor.u32 $0x4300, s12  }
0x5b: {  	s8 =	sor.u32 s2, s12;
	s30 =	sor.u32 s19, s29;
	v4 =	vld [tilespmem:s24+$0x0];
	s15 =	sor.u32 s2, s25  }
0x5c: {  	s24 =	sor.u32 s2, s31;
	s31 =	sor.u32 s19, s31;
	s2 =	sor.u32 s19, s28;
	v5 =	vld [tilespmem:s8+$0x300]  }
0x5d: {  	s29 =	sor.u32 s19, s26;
	s26 =	sor.u32 s19, s5;
	v6 =	vld [tilespmem:s24+$0x0];
	s24 =	sor.u32 s19, s12  }
0x5e: {  	s28 =	sor.u32 s19, s13;
	v7 =	vld [tilespmem:s8+$0x380]  }
0x5f: {  	v8 =	vld [tilespmem:s8+$0x280];
	v1 =	vadd.f32 v3, v1  }
0x60: {  	v3 =	vld [tilespmem:s8+$0x180]  }
0x61: {  	v9 =	vld [tilespmem:s8+$0x200]  }
0x62: {  	v10 =	vld [tilespmem:s8+$0x100]  }
0x63: {  	v11 =	vld [tilespmem:s14+$0x0];
	v5 =	vadd.f32 v7, v5  }
0x64: {  	v7 =	vld [tilespmem:s8+$0x80]  }
0x65: {  	v12 =	vld [tilespmem:s7+$0x0]  }
0x66: {  	v13 =	vld [tilespmem:s8+$0x0];
	v8 =	vadd.f32 v8, v9  }
0x67: {  	v9 =	vld [tilespmem:s15+$0x0];
	v3 =	vadd.f32 v3, v10  }
0x68: {  	v6 =	vadd.f32 v11, v6;
	_ =	sdelay $0x1  }
0x69: {  	v4 =	vadd.f32 v4, v12  }
0x6a: {  	v7 =	vadd.f32 v7, v13  }
0x6b: {  	v2 =	vadd.f32 v2, v9  }
0x6c: {  	v5 =	vadd.f32 v5, v8;
	v3 =	vadd.f32 v3, v7  }
0x6d: {  	v1 =	vadd.f32 v6, v1;
	v2 =	vadd.f32 v2, v4  }
0x6e: {  	v4 =	vld [tilespmem:s21+$0x0]  }
0x6f: {  	v3 =	vadd.f32 v5, v3;
	v1 =	vadd.f32 v2, v1;
	_ =	sdelay $0x1  }
.Ltmp1:
0x70: {  	v1 =	vadd.f32 v1, v3;
	(pc) =	sbr.rel @p0 .LBB2_5-.Ltmp1, $3  }
0x71: {  	_ = 	snop  }
0x72: {  	v1 =	vadd.f32 v1, v4;
	_ =	sdelay $0x1  }
0x73: {  	s0 =	sor.u32 s19, s0;
	[tilespmem:s21+$0x0] =	vst v1  }
0x74: {  	v1 =	vld [tilespmem:s2+$0x0]  }
0x75: {  	v2 =	vld [tilespmem:s24+$0x80]  }
0x76: {  	v3 =	vld [tilespmem:s31+$0x0]  }
0x77: {  	v4 =	vld [tilespmem:s30+$0x0]  }
0x78: {  	v6 =	vld [tilespmem:s24+$0x380]  }
0x79: {  	v7 =	vld [tilespmem:s24+$0x300]  }
0x7a: {  	v8 =	vld [tilespmem:s24+$0x280]  }
0x7b: {  	v9 =	vld [tilespmem:s24+$0x200]  }
0x7c: {  	v10 =	vld [tilespmem:s0+$0x0]  }
0x7d: {  	v11 =	vld [tilespmem:s29+$0x0]  }
0x7e: {  	v12 =	vld [tilespmem:s26+$0x0]  }
0x7f: {  	v13 =	vld [tilespmem:s28+$0x0]  }
0x80: {  	v14 =	vld [tilespmem:s24+$0x180]  }
0x81: {  	v15 =	vld [tilespmem:s24+$0x0]  }
0x82: {  	s25 =	sor.u32 s19, s25;
	v16 =	vld [tilespmem:s24+$0x100]  }
0x83: {  	v5 =	vld [tilespmem:s25+$0x0];
	_ =	sdelay $0x1  }
0x84: {  	v1 =	vadd.f32 v1, v3;
	v40 =	vadd.f32 v6, v7  }
0x85: {  	v41 =	vadd.f32 v8, v9;
	v43 =	vadd.f32 v11, v13  }
0x86: {  	v2 =	vadd.f32 v2, v15;
	v44 =	vadd.f32 v14, v16  }
0x87: {  	v42 =	vadd.f32 v10, v12;
	v3 =	vadd.f32 v4, v5  }
0x88: {  	s26 =	sand.u32 $0x780, s20;
	v1 =	vadd.f32 v1, v43;
	v2 =	vadd.f32 v44, v2  }
0x89: {  	s0 =	sor.u32 s19, s26;
	v4 =	vadd.f32 v40, v41;
	v3 =	vadd.f32 v3, v42  }
0x8a: {  	v45 =	vld [tilespmem:s0+$0x10000]  }
0x8b: {  	v2 =	vadd.f32 v4, v2;
	v1 =	vadd.f32 v3, v1;
	_ =	sdelay $0x1  }
0x8c: {  	v1 =	vadd.f32 v1, v2  }
0x8d: {  	p0 =	seq.s32 s17, $0x3;
	s2 =	rddreg [dreg:$0x6]  }
0x8e: {  	s2 =	sadd.s32 @!p0 s18, s2;
	v1 =	vadd.f32 v1, v45  }
0x8f: {  	s2 =	sshll.u32 @!p0 s2, $0x8  }
0x90: {  	s18 =	simm.s32 $0x0;
	[tilespmem:s0+$0x10000] =	vst v1;
	s0 =	sadd.s32 @!p0 s1, s2;
	s2 =	simm.s32 @!p0 $0x0  }
0x91: {  	[tilespmem:s2], [sflag:$0x1] =	stream.linear.gather @!p0 [hbm4b:s0+s2], $0x8000, $0x38;
	[tilespmem:$0x10800] =	vst v63  }
0x92: {  	s10 =	smov.u32 s1;
	s31 =	sand.u32 $0x3C00, s18;
	_ =	swait.ge [sflag:s11], $0x8000  }
0x93: {  	s23 =	sor.u32 $0x8000, s31;
	s1 =	sand.u32 $0x60, s18;
	[sflag:s11] =	ssyncset.done $0x0  }
0x94: {  	s5 =	sor.u32 s1, s23;
	[sflag:s11] =	ssyncadd.s32 $0xFFFF8000  }
0x95: {  	v1 =	vld [tilespmem:s5+$0x0]  }
0x96: {  	v2 =	vld [tilespmem:s5+$0x100]  }
0x97: {  	v3 =	vld [tilespmem:s5+$0x180]  }
0x98: {  	s7 =	sor.u32 $0xC000, s31;
	v46 =	vld [tilespmem:s5+$0x280]  }
0x99: {  	s8 =	sor.u32 s1, s7;
	v47 =	vld [tilespmem:s5+$0x80]  }
0x9a: {  	v48 =	vld [tilespmem:s8+$0x0]  }
0x9b: {  	v49 =	vld [tilespmem:s5+$0x380]  }
0x9c: {  	s3 =	sor.u32 $0xC280, s31;
	v50 =	vld [tilespmem:s5+$0x300]  }
0x9d: {  	s12 =	sor.u32 $0xC100, s31;
	s13 =	sor.u32 s1, s3;
	v51 =	vld [tilespmem:s5+$0x200]  }
0x9e: {  	s14 =	sor.u32 $0xC300, s31;
	s4 =	sor.u32 s1, s12;
	v52 =	vld [tilespmem:s13+$0x0]  }
0x9f: {  	s6 =	sor.u32 $0xC380, s31;
	s15 =	sor.u32 s1, s14;
	v53 =	vld [tilespmem:s4+$0x0]  }
0xa0: {  	s9 =	sor.u32 $0xC200, s31;
	s22 =	sor.u32 s1, s6;
	v54 =	vld [tilespmem:s15+$0x0]  }
0xa1: {  	s24 =	sor.u32 $0xC080, s31;
	s25 =	sor.u32 s1, s9;
	v55 =	vld [tilespmem:s22+$0x0]  }
0xa2: {  	s0 =	sor.u32 $0xC180, s31;
	s26 =	sor.u32 s1, s24;
	v56 =	vld [tilespmem:s25+$0x0]  }
0xa3: {  	s31 =	sor.u32 s1, s0;
	v57 =	vld [tilespmem:s26+$0x0]  }
0xa4: {  	v58 =	vld [tilespmem:s31+$0x0];
	_ =	sdelay $0x1  }
0xa5: {  	v2 =	vadd.f32 v3, v2;
	v1 =	vadd.f32 v47, v1  }
0xa6: {  	v3 =	vadd.f32 v49, v50;
	v4 =	vadd.f32 v46, v51  }
0xa7: {  	v59 =	vadd.f32 v55, v54;
	v60 =	vadd.f32 v52, v56  }
0xa8: {  	v6 =	vadd.f32 v57, v48;
	v61 =	vadd.f32 v58, v53  }
0xa9: {  	v1 =	vadd.f32 v2, v1;
	v2 =	vadd.f32 v3, v4  }
0xaa: {  	s20 =	simm.s32 $0x10000;
	v3 =	vadd.f32 v61, v6;
	v62 =	vadd.f32 v59, v60  }
0xab: {  	v63 =	vld [tilespmem:s20+$0x0]  }
0xac: {  	v1 =	vadd.f32 v2, v1;
	v2 =	vadd.f32 v62, v3;
	_ =	sdelay $0x1  }
0xad: {  	v1 =	vadd.f32 v2, v1  }
0xae: {  	s22 =	sor.u32 $0x10, s1  }
0xaf: {  	s21 =	simm.s32 $0x20;
	s19 =	simm.s32 $0x0;
	s28 =	sor.u32 s22, s0;
	v1 =	vadd.f32 v1, v63  }
0xb0: {  	s0 =	sor.u32 s22, s14;
	s30 =	sor.u32 s22, s7;
	s29 =	sor.u32 s22, s12  }
0xb1: {  	s26 =	sor.u32 s22, s3;
	s25 =	sor.u32 s22, s9;
	s2 =	sor.u32 s22, s6;
	[tilespmem:s20+$0x0] =	vst v1  }
.LBB2_7:
0xb2: {  	p0 =	sne.s32 s21, $0x7E0;
	v1 =	vld [tilespmem:s2+$0x0];
	s18 =	sadd.s32 $0x100, s18;
	s20 =	sadd.s32 $0x20, s20  }
0xb3: {  	s2 =	sor.u32 s22, s23;
	v2 =	vld [tilespmem:s0+$0x0];
	s0 =	smov.u32 s21;
	s21 =	sadd.s32 $0x20, s21  }
0xb4: {  	s5 =	sor.u32 s22, s24;
	v3 =	vld [tilespmem:s2+$0x180]  }
0xb5: {  	v4 =	vld [tilespmem:s5+$0x0]  }
0xb6: {  	v5 =	vld [tilespmem:s2+$0x0]  }
0xb7: {  	v6 =	vld [tilespmem:s2+$0x380]  }
0xb8: {  	v7 =	vld [tilespmem:s28+$0x0]  }
0xb9: {  	v8 =	vld [tilespmem:s2+$0x280]  }
0xba: {  	v9 =	vld [tilespmem:s30+$0x0]  }
0xbb: {  	v10 =	vld [tilespmem:s29+$0x0]  }
0xbc: {  	v11 =	vld [tilespmem:s2+$0x100]  }
0xbd: {  	v12 =	vld [tilespmem:s26+$0x0]  }
0xbe: {  	v13 =	vld [tilespmem:s2+$0x200]  }
0xbf: {  	v14 =	vld [tilespmem:s2+$0x80];
	v4 =	vadd.f32 v4, v9  }
0xc0: {  	v1 =	vadd.f32 v1, v2;
	v9 =	vld [tilespmem:s25+$0x0];
	v7 =	vadd.f32 v7, v10  }
0xc1: {  	v2 =	vld [tilespmem:s2+$0x300];
	v3 =	vadd.f32 v3, v11  }
0xc2: {  	v4 =	vadd.f32 v7, v4  }
0xc3: {  	v7 =	vadd.f32 v8, v13  }
0xc4: {  	v5 =	vadd.f32 v14, v5  }
0xc5: {  	v8 =	vadd.f32 v12, v9  }
0xc6: {  	s2 =	sand.u32 $0x780, s19;
	s19 =	smov.u32 s0;
	v2 =	vadd.f32 v6, v2;
	v3 =	vadd.f32 v3, v5  }
0xc7: {  	s0 =	sor.u32 s22, s2;
	v1 =	vadd.f32 v1, v8  }
0xc8: {  	v2 =	vadd.f32 v2, v7;
	v5 =	vld [tilespmem:s0+$0x10000]  }
0xc9: {  	v1 =	vadd.f32 v1, v4  }
0xca: {  	v2 =	vadd.f32 v2, v3;
	_ =	sdelay $0x1  }
0xcb: {  	v1 =	vadd.f32 v1, v2;
	_ =	sdelay $0x1  }
0xcc: {  	s5 =	sand.u32 $0x3C00, s18;
	s2 =	sand.u32 $0x60, s19;
	v1 =	vadd.f32 v1, v5  }
0xcd: {  	s23 =	sor.u32 $0x8000, s5;
	s7 =	sor.u32 $0xC000, s5;
	s31 =	sor.u32 $0xC380, s5  }
0xce: {  	s13 =	sor.u32 $0xC100, s5;
	s8 =	sor.u32 s2, s23;
	s12 =	sor.u32 s2, s7;
	[tilespmem:s0+$0x10000] =	vst v1  }
0xcf: {  	s15 =	sor.u32 $0xC200, s5;
	s14 =	sor.u32 s2, s13;
	s3 =	sor.u32 s2, s31;
	v1 =	vld [tilespmem:s8+$0x0]  }
0xd0: {  	s24 =	sor.u32 $0xC080, s5;
	s25 =	sor.u32 $0xC280, s5;
	s0 =	sor.u32 $0xC180, s5;
	v2 =	vld [tilespmem:s8+$0x100]  }
0xd1: {  	s1 =	sor.u32 s2, s15;
	s4 =	sor.u32 s2, s25;
	s9 =	sor.u32 s2, s0;
	v3 =	vld [tilespmem:s8+$0x180]  }
0xd2: {  	s6 =	sor.u32 s2, s24;
	s22 =	sor.u32 $0x10, s2;
	s5 =	sor.u32 $0xC300, s5;
	v4 =	vld [tilespmem:s8+$0x280]  }
0xd3: {  	s2 =	sor.u32 s2, s5;
	s28 =	sor.u32 s22, s0;
	s0 =	sor.u32 s22, s5;
	v5 =	vld [tilespmem:s8+$0x80]  }
0xd4: {  	s30 =	sor.u32 s22, s7;
	s29 =	sor.u32 s22, s13;
	s26 =	sor.u32 s22, s25;
	v6 =	vld [tilespmem:s12+$0x0]  }
0xd5: {  	s25 =	sor.u32 s22, s15;
	v7 =	vld [tilespmem:s8+$0x380]  }
0xd6: {  	v8 =	vld [tilespmem:s8+$0x300];
	v2 =	vadd.f32 v3, v2  }
0xd7: {  	v3 =	vld [tilespmem:s8+$0x200]  }
0xd8: {  	v9 =	vld [tilespmem:s4+$0x0];
	v1 =	vadd.f32 v5, v1  }
0xd9: {  	v5 =	vld [tilespmem:s14+$0x0]  }
0xda: {  	v10 =	vld [tilespmem:s2+$0x0]  }
0xdb: {  	v11 =	vld [tilespmem:s3+$0x0];
	v7 =	vadd.f32 v7, v8  }
0xdc: {  	v8 =	vld [tilespmem:s1+$0x0];
	v3 =	vadd.f32 v4, v3  }
0xdd: {  	v4 =	vld [tilespmem:s6+$0x0]  }
0xde: {  	v12 =	vld [tilespmem:s9+$0x0];
	_ =	sdelay $0x1  }
0xdf: {  	v10 =	vadd.f32 v11, v10  }
0xe0: {  	v8 =	vadd.f32 v9, v8  }
0xe1: {  	v4 =	vadd.f32 v4, v6  }
0xe2: {  	v1 =	vadd.f32 v2, v1;
	v5 =	vadd.f32 v12, v5  }
0xe3: {  	v2 =	vadd.f32 v7, v3  }
0xe4: {  	v3 =	vadd.f32 v5, v4;
	v4 =	vadd.f32 v10, v8  }
0xe5: {  	v5 =	vld [tilespmem:s20+$0x0]  }
0xe6: {  	v1 =	vadd.f32 v2, v1;
	v2 =	vadd.f32 v4, v3;
	_ =	sdelay $0x1  }
.Ltmp2:
0xe7: {  	v1 =	vadd.f32 v2, v1;
	(pc) =	sbr.rel @p0 .LBB2_7-.Ltmp2, $3  }
0xe8: {  	_ = 	snop  }
0xe9: {  	v1 =	vadd.f32 v1, v5;
	_ =	sdelay $0x1  }
0xea: {  	s2 =	sor.u32 s22, s31;
	[tilespmem:s20+$0x0] =	vst v1  }
0xeb: {  	v1 =	vld [tilespmem:s2+$0x0]  }
0xec: {  	v2 =	vld [tilespmem:s0+$0x0]  }
0xed: {  	v7 =	vld [tilespmem:s28+$0x0]  }
0xee: {  	v9 =	vld [tilespmem:s30+$0x0]  }
0xef: {  	v10 =	vld [tilespmem:s29+$0x0]  }
0xf0: {  	v12 =	vld [tilespmem:s26+$0x0]  }
0xf1: {  	s1 =	sor.u32 s22, s23;
	v15 =	vld [tilespmem:s25+$0x0]  }
0xf2: {  	s24 =	sor.u32 s22, s24;
	v3 =	vld [tilespmem:s1+$0x180]  }
0xf3: {  	v4 =	vld [tilespmem:s24+$0x0]  }
0xf4: {  	v5 =	vld [tilespmem:s1+$0x0]  }
0xf5: {  	v6 =	vld [tilespmem:s1+$0x380]  }
0xf6: {  	v8 =	vld [tilespmem:s1+$0x280]  }
0xf7: {  	v11 =	vld [tilespmem:s1+$0x100]  }
0xf8: {  	v13 =	vld [tilespmem:s1+$0x200]  }
0xf9: {  	v14 =	vld [tilespmem:s1+$0x80]  }
0xfa: {  	v16 =	vld [tilespmem:s1+$0x300];
	_ =	sdelay $0x1  }
0xfb: {  	v7 =	vadd.f32 v7, v10;
	v1 =	vadd.f32 v1, v2  }
0xfc: {  	v62 =	vadd.f32 v12, v15;
	v4 =	vadd.f32 v4, v9  }
0xfd: {  	v2 =	vadd.f32 v3, v11;
	v3 =	vadd.f32 v8, v13  }
0xfe: {  	v5 =	vadd.f32 v14, v5;
	v6 =	vadd.f32 v6, v16  }
0xff: {  	s31 =	sand.u32 $0x780, s19;
	v1 =	vadd.f32 v1, v62;
	v4 =	vadd.f32 v7, v4  }
0x100: {  	s0 =	sor.u32 s22, s31;
	v2 =	vadd.f32 v2, v5;
	v3 =	vadd.f32 v6, v3  }
0x101: {  	v63 =	vld [tilespmem:s0+$0x10000]  }
0x102: {  	s17 =	sadd.s32 $0x1, s17;
	v1 =	vadd.f32 v1, v4;
	v2 =	vadd.f32 v3, v2  }
0x103: {  	p0 =	sne.s32 s17, $0x4  }
.Ltmp3:
0x104: {  	v1 =	vadd.f32 v1, v2;
	(pc) =	sbr.rel @p0 .LBB2_4-.Ltmp3, $3  }
0x105: {  	_ = 	snop  }
0x106: {  	v1 =	vadd.f32 v1, v63;
	_ =	sdelay $0x1  }
0x107: {  	s1 =	smov.u32 s10;
	[tilespmem:s0+$0x10000] =	vst v1  }
0x108: {  	s0 =	rddreg [dreg:$0x7];
	s2 =	simm.s32 $0x80  }
0x109: {  	s3 =	simm.s32 $0x400;
	s4 =	simm.s32 $0x10000;
	s30 =	simm.s32 $0x3  }
0x10a: {  	[hbm4b:s0+s2] =	stream.strided.scatter [tilespmem:s4], [sflag:$0x3], $0x800, s3, s2, $0x38;
	[tilespmem:$0x10800] =	vst v63  }
0x10b: {  	_ =	swait.ge [sflag:s30], $0x800  }
0x10c: {  	s8 =	rddreg [dreg:$0x3]  }
0x10d: {  	s31 =	rddreg [dreg:$0x8];
	s8 =	sadd.s32 $0x1, s8  }
0x10e: {  	p0 =	sne.s32 s8, s31  }
.Ltmp4:
0x10f: {  	_ = 	snop;
	(pc) =	sbr.rel @p0 .LBB2_1-.Ltmp4, $3  }
0x110: {  	_ =	sdelay $0x1  }
0x111: {  	[sflag:s30] =	ssyncset.done $0x0  }
0x112: {  	[sflag:s30] =	ssyncadd.s32 $0xFFFFF800  }
0x113: {  	_ =	sfence.sel $0x180000  }
0x114: {  	[bflag:$0x0] =	sbarrier.arrive $0xFFFF  }
0x115: {  	_ =	strace $0x90000047  }
0x116: {  	s0 =	stileid.u32;
	[bflag:$0x2] =	sbarrier.arrive $0xFFFF  }
0x117: {  	p0 =	sne.s32 s0, $0x0;
	s0 =	rddreg [dreg:$0x2]  }
0x118: {  	s0 =	sadd.s32 @!p0 $0x100000, s0  }
0x119: {  	[sflag:s0] =	ssyncadd.tile.s32 @!p0 $0x1;
	_ =	shalt  }
.Lfunc_end2:
_tile_overlayer_lowered:
.L_overlay_start_2:
0x11a: {  	(tag) =	ssettag $0x2  }
0x11b: {  	s0 =	rddreg [dreg:$0x0];
	s2 =	stileid.u32  }
0x11c: {  	s1 =	rddreg [dreg:$0x1];
	p0 =	sne.s32 s2, $0x0  }
0x11d: {  	s3 =	rddreg [dreg:$0x2];
	[bflag:$0x3] =	sbarrier.arrive $0xFFFF;
	s2 =	simm.s32 @!p0 $0x1C03  }
0x11e: {  	[timem:s3], [sflag:s2] =	dma.local @!p0 [hbm:s0], s1  }
0x11f: {  	s0 =	simm.s32 @!p0 $0x3  }
0x120: {  	_ =	swait.ge @!p0 [sflag:s0], s1  }
0x121: {  	s1 =	ssub.s32 @!p0 $0x0, s1;
	[sflag:s0] =	ssyncset.done @!p0 $0x0  }
0x122: {  	[sflag:s0] =	ssyncadd.s32 @!p0 s1  }
0x123: {  	[bflag:$0x3] =	sbarrier.arrive $0xFFFF  }
0x124: {  	_ =	shalt  }

</sc_bundles>
